<compile_context>
chip_gen: v7x
topology: tpu7x:2x2x1
jax: 0.10.2.dev20260603
libtpu: 0.0.44.dev20260713+nightly
codegen_flags: <defaults>
</compile_context>

<pallas_src>
import functools

import jax
import jax.numpy as jnp
from jax import lax
from jax.experimental import pallas as pl
from jax.experimental.pallas import tpu as pltpu
from jax.experimental.pallas import tpu_sc as plsc

L = 1048576
NC = 2
NS = 16
LANES = 16
NW = NC * NS
PER_W = L // NW
CHUNK = 8192
HALF = CHUNK // 2
NSUB = PER_W // CHUNK


@functools.lru_cache(maxsize=1)
def _build():
    mesh = plsc.VectorSubcoreMesh(
        core_axis_name="c", subcore_axis_name="s", num_cores=NC, num_subcores=NS
    )

    @functools.partial(
        pl.kernel,
        out_type=jax.ShapeDtypeStruct((4, L), jnp.float32),
        mesh=mesh,
        scratch_types=[
            pltpu.VMEM((2, CHUNK), jnp.int32),
            pltpu.VMEM((2, 4, CHUNK), jnp.float32),
            pltpu.SemaphoreType.DMA,
            pltpu.SemaphoreType.DMA,
            pltpu.SemaphoreType.DMA,
            pltpu.SemaphoreType.DMA,
            pltpu.SemaphoreType.DMA,
            pltpu.SemaphoreType.DMA,
        ],
    )
    def _seq2tensor(
        codes_hbm, out_hbm, codes_v, out_v, si0, si1, so0, so1, so2, so3
    ):
        wid = lax.axis_index("s") * NC + lax.axis_index("c")
        base = wid * PER_W
        in_sems = (si0, si1)
        out_sems = (so0, so1, so2, so3)

        in_copies = [None] * NSUB
        out_copies = [None] * (2 * NSUB)
        in_copies[0] = pltpu.async_copy(
            codes_hbm.at[pl.ds(base, CHUNK)], codes_v.at[0], in_sems[0]
        )
        for sub in range(NSUB):
            b = sub % 2
            if sub + 1 < NSUB:
                nb = (sub + 1) % 2
                in_copies[sub + 1] = pltpu.async_copy(
                    codes_hbm.at[pl.ds(base + (sub + 1) * CHUNK, CHUNK)],
                    codes_v.at[nb],
                    in_sems[nb],
                )
            in_copies[sub].wait()
            cv = codes_v.at[b]
            ov = out_v.at[b]
            for h in range(2):
                hidx = 2 * sub + h
                if hidx >= 4:
                    out_copies[hidx - 4].wait()

                @plsc.parallel_loop(h * HALF, (h + 1) * HALF, step=LANES, unroll=2)
                def body(i, cv=cv, ov=ov):
                    c = cv[pl.ds(i, LANES)]
                    n_fill = jnp.where(c == 4, 0.25, 0.0)
                    for r in range(4):
                        ov[r, pl.ds(i, LANES)] = jnp.where(c == r, 1.0, n_fill)

                out_copies[hidx] = pltpu.async_copy(
                    out_v.at[b, :, pl.ds(h * HALF, HALF)],
                    out_hbm.at[:, pl.ds(base + sub * CHUNK + h * HALF, HALF)],
                    out_sems[hidx % 4],
                )
        for hidx in range(2 * NSUB - 4, 2 * NSUB):
            out_copies[hidx].wait()

    return _seq2tensor


def kernel(codes):
    return _build()(codes)

# --- scband reference (transcript-rebuilt; emitter-appended) ---
"""Pipeline reference for scband-seq2-tensor-69200513073422 (READ-ONLY COPY).

The authoritative reference and input builder live on the scoring server;
editing this copy changes nothing except your own understanding.
"""

import jax, jax.numpy as jnp
import numpy as np

L = 1048576

def setup_inputs(seed: int = 0) -> dict:
    key = jax.random.key(seed)
    codes = jax.random.randint(key, (L,), 0, 5, dtype=jnp.int32)
    return {"codes": codes}

def reference(codes):
    # F.one_hot(code, num_classes=5).float()
    onehot = jax.nn.one_hot(codes, 5, dtype=jnp.float32)
    # code[code[:, 4] == 1] = 0.25  -> rows where the 'N' class is hot become all 0.25
    is_n = onehot[:, 4] == 1.0
    onehot = jnp.where(is_n[:, None], 0.25, onehot)
    # code = code[:, :4]; X = code.transpose(0, 1)
    X = onehot[:, :4].T  # shape [4, L]
    return X

if __name__ == "__main__":
    import jax
    _d = setup_inputs()
    print(jax.jit(kernel)(*tuple(_d.values())))

</pallas_src>

<mosaic_0001>
#map = affine_map<(d0, d1) -> (0)>
#map1 = affine_map<(d0, d1) -> (0, 0)>
module attributes {stable_mosaic.version = 14 : i64} {
  func.func @_seq2tensor(%arg0: i32, %arg1: i32, %arg2: memref<1048576xi32, #tpu.memory_space<hbm>>, %arg3: memref<4x1048576xf32, #tpu.memory_space<hbm>>, %arg4: memref<2x8192xi32, #tpu.memory_space<vmem>>, %arg5: memref<2x4x8192xf32, #tpu.memory_space<vmem>>, %arg6: memref<!tpu.dma_semaphore, #tpu.memory_space<semaphore_mem>>, %arg7: memref<!tpu.dma_semaphore, #tpu.memory_space<semaphore_mem>>, %arg8: memref<!tpu.dma_semaphore, #tpu.memory_space<semaphore_mem>>, %arg9: memref<!tpu.dma_semaphore, #tpu.memory_space<semaphore_mem>>, %arg10: memref<!tpu.dma_semaphore, #tpu.memory_space<semaphore_mem>>, %arg11: memref<!tpu.dma_semaphore, #tpu.memory_space<semaphore_mem>>) attributes {dimension_semantics = [#tpu.dimension_semantics<core_parallel>, #tpu.dimension_semantics<subcore_parallel>], iteration_bounds = array<i64: 2, 16>, scalar_prefetch = 0 : i64, scratch_operands = 8 : i64, tpu.core_type = #tpu.core_type<sc_vector_subcore>, window_params = [{transform_indices = #map}, {transform_indices = #map1}]} {
    %mul3A = arith.constant 2 : i32
    %mul3A_0 = arith.muli %arg1, %mul3A : i32
    %add3A = arith.addi %mul3A_0, %arg0 : i32
    %mul3A_1 = arith.constant 32768 : i32
    %mul3A_2 = arith.muli %add3A, %mul3A_1 : i32
    %dma_start3A = arith.constant 0 : i32
    %dma_start3A_3 = arith.constant 0 : i32
    %dma_start3A_4 = tpu.memref_slice %arg4[%dma_start3A, %dma_start3A_3] : memref<2x8192xi32, #tpu.memory_space<vmem>> -> memref<1x8192xi32, #tpu.memory_space<vmem>>
    %dma_start3A_5 = tpu.memref_squeeze %dma_start3A_4 : memref<1x8192xi32, #tpu.memory_space<vmem>> -> memref<8192xi32, #tpu.memory_space<vmem>>
    %dma_start3A_6 = tpu.memref_slice %arg2[%mul3A_2] : memref<1048576xi32, #tpu.memory_space<hbm>> -> memref<8192xi32, #tpu.memory_space<hbm>>
    %dma_start3A_7 = arith.constant 0 : i32
    %dma_start3A_8 = tpu.memref_slice %arg4[%dma_start3A, %dma_start3A_7] : memref<2x8192xi32, #tpu.memory_space<vmem>> -> memref<1x8192xi32, #tpu.memory_space<vmem>>
    %dma_start3A_9 = tpu.memref_squeeze %dma_start3A_8 : memref<1x8192xi32, #tpu.memory_space<vmem>> -> memref<8192xi32, #tpu.memory_space<vmem>>
    %dma_start3A_10 = tpu.memref_slice %arg2[%mul3A_2] : memref<1048576xi32, #tpu.memory_space<hbm>> -> memref<8192xi32, #tpu.memory_space<hbm>>
    tpu.enqueue_dma source(%dma_start3A_10 : memref<8192xi32, #tpu.memory_space<hbm>>) target(%dma_start3A_9 : memref<8192xi32, #tpu.memory_space<vmem>>) target_semaphore(%arg6 : memref<!tpu.dma_semaphore, #tpu.memory_space<semaphore_mem>>)
    %add3A_11 = arith.constant 8192 : i32
    %add3A_12 = arith.addi %mul3A_2, %add3A_11 : i32
    %dma_start3A_13 = arith.constant 1 : i32
    %dma_start3A_14 = arith.constant 0 : i32
    %dma_start3A_15 = tpu.memref_slice %arg4[%dma_start3A_13, %dma_start3A_14] : memref<2x8192xi32, #tpu.memory_space<vmem>> -> memref<1x8192xi32, #tpu.memory_space<vmem>>
    %dma_start3A_16 = tpu.memref_squeeze %dma_start3A_15 : memref<1x8192xi32, #tpu.memory_space<vmem>> -> memref<8192xi32, #tpu.memory_space<vmem>>
    %dma_start3A_17 = tpu.memref_slice %arg2[%add3A_12] : memref<1048576xi32, #tpu.memory_space<hbm>> -> memref<8192xi32, #tpu.memory_space<hbm>>
    %dma_start3A_18 = arith.constant 0 : i32
    %dma_start3A_19 = tpu.memref_slice %arg4[%dma_start3A_13, %dma_start3A_18] : memref<2x8192xi32, #tpu.memory_space<vmem>> -> memref<1x8192xi32, #tpu.memory_space<vmem>>
    %dma_start3A_20 = tpu.memref_squeeze %dma_start3A_19 : memref<1x8192xi32, #tpu.memory_space<vmem>> -> memref<8192xi32, #tpu.memory_space<vmem>>
    %dma_start3A_21 = tpu.memref_slice %arg2[%add3A_12] : memref<1048576xi32, #tpu.memory_space<hbm>> -> memref<8192xi32, #tpu.memory_space<hbm>>
    tpu.enqueue_dma source(%dma_start3A_21 : memref<8192xi32, #tpu.memory_space<hbm>>) target(%dma_start3A_20 : memref<8192xi32, #tpu.memory_space<vmem>>) target_semaphore(%arg7 : memref<!tpu.dma_semaphore, #tpu.memory_space<semaphore_mem>>)
    %dma_wait3A = arith.constant 0 : i32
    %dma_wait3A_22 = arith.constant 0 : i32
    %dma_wait3A_23 = tpu.memref_slice %arg4[%dma_wait3A, %dma_wait3A_22] : memref<2x8192xi32, #tpu.memory_space<vmem>> -> memref<1x8192xi32, #tpu.memory_space<vmem>>
    %dma_wait3A_24 = tpu.memref_squeeze %dma_wait3A_23 : memref<1x8192xi32, #tpu.memory_space<vmem>> -> memref<8192xi32, #tpu.memory_space<vmem>>
    %dma_wait3A_25 = tpu.memref_slice %arg2[%mul3A_2] : memref<1048576xi32, #tpu.memory_space<hbm>> -> memref<8192xi32, #tpu.memory_space<hbm>>
    %dma_wait3A_26 = arith.constant 0 : i32
    %dma_wait3A_27 = tpu.memref_slice %arg4[%dma_wait3A, %dma_wait3A_26] : memref<2x8192xi32, #tpu.memory_space<vmem>> -> memref<1x8192xi32, #tpu.memory_space<vmem>>
    %dma_wait3A_28 = tpu.memref_squeeze %dma_wait3A_27 : memref<1x8192xi32, #tpu.memory_space<vmem>> -> memref<8192xi32, #tpu.memory_space<vmem>>
    %dma_wait3A_29 = tpu.memref_slice %arg2[%mul3A_2] : memref<1048576xi32, #tpu.memory_space<hbm>> -> memref<8192xi32, #tpu.memory_space<hbm>>
    tpu.wait_dma2 semaphore(%arg6 : memref<!tpu.dma_semaphore, #tpu.memory_space<semaphore_mem>>) src(%dma_wait3A_29 : memref<8192xi32, #tpu.memory_space<hbm>>) dst(%dma_wait3A_28 : memref<8192xi32, #tpu.memory_space<vmem>>)
    %parallel_loop3A = arith.constant 0 : i32
    %parallel_loop3A_30 = arith.constant 4096 : i32
    %parallel_loop3A_31 = arith.constant 16 : i32
    %parallel_loop3A_32 = arith.constant 0 : i32
    %parallel_loop3A_33 = arith.constant 0 : i32
    scf.for %parallel_loop3A_358 = %parallel_loop3A to %parallel_loop3A_30 step %parallel_loop3A_31  : i32 {
      %parallel_loop3A_359 = arith.constant 0 : i32
      %parallel_loop3A_360 = tpu.memref_slice %arg4[%parallel_loop3A_32, %parallel_loop3A_359] : memref<2x8192xi32, #tpu.memory_space<vmem>> -> memref<1x8192xi32, #tpu.memory_space<vmem>>
      %parallel_loop3A_361 = tpu.memref_squeeze %parallel_loop3A_360 : memref<1x8192xi32, #tpu.memory_space<vmem>> -> memref<8192xi32, #tpu.memory_space<vmem>>
      %parallel_loop3A_362 = arith.index_cast %parallel_loop3A_358 : i32 to index
      %parallel_loop3A_363 = tpu.vector_load %parallel_loop3A_361[%parallel_loop3A_362] {strides = array<i32>} : memref<8192xi32, #tpu.memory_space<vmem>>, vector<16xi32>,
      %parallel_loop3A_364 = vector.shape_cast %parallel_loop3A_363 : vector<16xi32> to vector<16xi32>
      %parallel_loop3A_365 = arith.constant 4 : i32
      %parallel_loop3A_366 = vector.broadcast %parallel_loop3A_365 : i32 to vector<16xi32>
      %parallel_loop3A_367 = arith.cmpi eq, %parallel_loop3A_364, %parallel_loop3A_366 : vector<16xi32>
      %parallel_loop3A_368 = arith.constant 2.500000e-01 : f32
      %parallel_loop3A_369 = arith.constant 0.000000e+00 : f32
      %parallel_loop3A_370 = vector.broadcast %parallel_loop3A_368 : f32 to vector<16xf32>
      %parallel_loop3A_371 = vector.broadcast %parallel_loop3A_369 : f32 to vector<16xf32>
      %parallel_loop3A_372 = arith.select %parallel_loop3A_367, %parallel_loop3A_370, %parallel_loop3A_371 : vector<16xi1>, vector<16xf32>
      %parallel_loop3A_373 = arith.constant 0 : i32
      %parallel_loop3A_374 = vector.broadcast %parallel_loop3A_373 : i32 to vector<16xi32>
      %parallel_loop3A_375 = arith.cmpi eq, %parallel_loop3A_364, %parallel_loop3A_374 : vector<16xi32>
      %parallel_loop3A_376 = arith.constant 1.000000e+00 : f32
      %parallel_loop3A_377 = vector.broadcast %parallel_loop3A_376 : f32 to vector<16xf32>
      %parallel_loop3A_378 = arith.select %parallel_loop3A_375, %parallel_loop3A_377, %parallel_loop3A_372 : vector<16xi1>, vector<16xf32>
      %parallel_loop3A_379 = arith.constant 0 : i32
      %parallel_loop3A_380 = arith.constant 0 : i32
      %parallel_loop3A_381 = arith.constant 0 : i32
      %parallel_loop3A_382 = tpu.memref_slice %arg5[%parallel_loop3A_33, %parallel_loop3A_380, %parallel_loop3A_381] : memref<2x4x8192xf32, #tpu.memory_space<vmem>> -> memref<1x4x8192xf32, #tpu.memory_space<vmem>>
      %parallel_loop3A_383 = tpu.memref_squeeze %parallel_loop3A_382 : memref<1x4x8192xf32, #tpu.memory_space<vmem>> -> memref<4x8192xf32, #tpu.memory_space<vmem>>
      %parallel_loop3A_384 = arith.index_cast %parallel_loop3A_379 : i32 to index
      %parallel_loop3A_385 = arith.index_cast %parallel_loop3A_358 : i32 to index
      %parallel_loop3A_386 = tpu.vector_load %parallel_loop3A_383[%parallel_loop3A_384, %parallel_loop3A_385] {strides = array<i32>} : memref<4x8192xf32, #tpu.memory_space<vmem>>, vector<1x16xf32>,
      %parallel_loop3A_387 = vector.shape_cast %parallel_loop3A_386 : vector<1x16xf32> to vector<16xf32>
      %parallel_loop3A_388 = vector.shape_cast %parallel_loop3A_378 : vector<16xf32> to vector<1x16xf32>
      tpu.vector_store %parallel_loop3A_383[%parallel_loop3A_384, %parallel_loop3A_385], %parallel_loop3A_388 {strides = array<i32>} : memref<4x8192xf32, #tpu.memory_space<vmem>>, vector<1x16xf32>,
      %parallel_loop3A_389 = arith.constant 1 : i32
      %parallel_loop3A_390 = vector.broadcast %parallel_loop3A_389 : i32 to vector<16xi32>
      %parallel_loop3A_391 = arith.cmpi eq, %parallel_loop3A_364, %parallel_loop3A_390 : vector<16xi32>
      %parallel_loop3A_392 = arith.constant 1.000000e+00 : f32
      %parallel_loop3A_393 = vector.broadcast %parallel_loop3A_392 : f32 to vector<16xf32>
      %parallel_loop3A_394 = arith.select %parallel_loop3A_391, %parallel_loop3A_393, %parallel_loop3A_372 : vector<16xi1>, vector<16xf32>
      %parallel_loop3A_395 = arith.constant 1 : i32
      %parallel_loop3A_396 = arith.constant 0 : i32
      %parallel_loop3A_397 = arith.constant 0 : i32
      %parallel_loop3A_398 = tpu.memref_slice %arg5[%parallel_loop3A_33, %parallel_loop3A_396, %parallel_loop3A_397] : memref<2x4x8192xf32, #tpu.memory_space<vmem>> -> memref<1x4x8192xf32, #tpu.memory_space<vmem>>
      %parallel_loop3A_399 = tpu.memref_squeeze %parallel_loop3A_398 : memref<1x4x8192xf32, #tpu.memory_space<vmem>> -> memref<4x8192xf32, #tpu.memory_space<vmem>>
      %parallel_loop3A_400 = arith.index_cast %parallel_loop3A_395 : i32 to index
      %parallel_loop3A_401 = arith.index_cast %parallel_loop3A_358 : i32 to index
      %parallel_loop3A_402 = tpu.vector_load %parallel_loop3A_399[%parallel_loop3A_400, %parallel_loop3A_401] {strides = array<i32>} : memref<4x8192xf32, #tpu.memory_space<vmem>>, vector<1x16xf32>,
      %parallel_loop3A_403 = vector.shape_cast %parallel_loop3A_402 : vector<1x16xf32> to vector<16xf32>
      %parallel_loop3A_404 = vector.shape_cast %parallel_loop3A_394 : vector<16xf32> to vector<1x16xf32>
      tpu.vector_store %parallel_loop3A_399[%parallel_loop3A_400, %parallel_loop3A_401], %parallel_loop3A_404 {strides = array<i32>} : memref<4x8192xf32, #tpu.memory_space<vmem>>, vector<1x16xf32>,
      %parallel_loop3A_405 = arith.constant 2 : i32
      %parallel_loop3A_406 = vector.broadcast %parallel_loop3A_405 : i32 to vector<16xi32>
      %parallel_loop3A_407 = arith.cmpi eq, %parallel_loop3A_364, %parallel_loop3A_406 : vector<16xi32>
      %parallel_loop3A_408 = arith.constant 1.000000e+00 : f32
      %parallel_loop3A_409 = vector.broadcast %parallel_loop3A_408 : f32 to vector<16xf32>
      %parallel_loop3A_410 = arith.select %parallel_loop3A_407, %parallel_loop3A_409, %parallel_loop3A_372 : vector<16xi1>, vector<16xf32>
      %parallel_loop3A_411 = arith.constant 2 : i32
      %parallel_loop3A_412 = arith.constant 0 : i32
      %parallel_loop3A_413 = arith.constant 0 : i32
      %parallel_loop3A_414 = tpu.memref_slice %arg5[%parallel_loop3A_33, %parallel_loop3A_412, %parallel_loop3A_413] : memref<2x4x8192xf32, #tpu.memory_space<vmem>> -> memref<1x4x8192xf32, #tpu.memory_space<vmem>>
      %parallel_loop3A_415 = tpu.memref_squeeze %parallel_loop3A_414 : memref<1x4x8192xf32, #tpu.memory_space<vmem>> -> memref<4x8192xf32, #tpu.memory_space<vmem>>
      %parallel_loop3A_416 = arith.index_cast %parallel_loop3A_411 : i32 to index
      %parallel_loop3A_417 = arith.index_cast %parallel_loop3A_358 : i32 to index
      %parallel_loop3A_418 = tpu.vector_load %parallel_loop3A_415[%parallel_loop3A_416, %parallel_loop3A_417] {strides = array<i32>} : memref<4x8192xf32, #tpu.memory_space<vmem>>, vector<1x16xf32>,
      %parallel_loop3A_419 = vector.shape_cast %parallel_loop3A_418 : vector<1x16xf32> to vector<16xf32>
      %parallel_loop3A_420 = vector.shape_cast %parallel_loop3A_410 : vector<16xf32> to vector<1x16xf32>
      tpu.vector_store %parallel_loop3A_415[%parallel_loop3A_416, %parallel_loop3A_417], %parallel_loop3A_420 {strides = array<i32>} : memref<4x8192xf32, #tpu.memory_space<vmem>>, vector<1x16xf32>,
      %parallel_loop3A_421 = arith.constant 3 : i32
      %parallel_loop3A_422 = vector.broadcast %parallel_loop3A_421 : i32 to vector<16xi32>
      %parallel_loop3A_423 = arith.cmpi eq, %parallel_loop3A_364, %parallel_loop3A_422 : vector<16xi32>
      %parallel_loop3A_424 = arith.constant 1.000000e+00 : f32
      %parallel_loop3A_425 = vector.broadcast %parallel_loop3A_424 : f32 to vector<16xf32>
      %parallel_loop3A_426 = arith.select %parallel_loop3A_423, %parallel_loop3A_425, %parallel_loop3A_372 : vector<16xi1>, vector<16xf32>
      %parallel_loop3A_427 = arith.constant 3 : i32
      %parallel_loop3A_428 = arith.constant 0 : i32
      %parallel_loop3A_429 = arith.constant 0 : i32
      %parallel_loop3A_430 = tpu.memref_slice %arg5[%parallel_loop3A_33, %parallel_loop3A_428, %parallel_loop3A_429] : memref<2x4x8192xf32, #tpu.memory_space<vmem>> -> memref<1x4x8192xf32, #tpu.memory_space<vmem>>
      %parallel_loop3A_431 = tpu.memref_squeeze %parallel_loop3A_430 : memref<1x4x8192xf32, #tpu.memory_space<vmem>> -> memref<4x8192xf32, #tpu.memory_space<vmem>>
      %parallel_loop3A_432 = arith.index_cast %parallel_loop3A_427 : i32 to index
      %parallel_loop3A_433 = arith.index_cast %parallel_loop3A_358 : i32 to index
      %parallel_loop3A_434 = tpu.vector_load %parallel_loop3A_431[%parallel_loop3A_432, %parallel_loop3A_433] {strides = array<i32>} : memref<4x8192xf32, #tpu.memory_space<vmem>>, vector<1x16xf32>,
      %parallel_loop3A_435 = vector.shape_cast %parallel_loop3A_434 : vector<1x16xf32> to vector<16xf32>
      %parallel_loop3A_436 = vector.shape_cast %parallel_loop3A_426 : vector<16xf32> to vector<1x16xf32>
      tpu.vector_store %parallel_loop3A_431[%parallel_loop3A_432, %parallel_loop3A_433], %parallel_loop3A_436 {strides = array<i32>} : memref<4x8192xf32, #tpu.memory_space<vmem>>, vector<1x16xf32>,
    } {sc.loop_unroll_factor = 2 : i64, sc.parallel_access}
    %add3A_34 = arith.constant 0 : i32
    %add3A_35 = arith.addi %mul3A_2, %add3A_34 : i32
    %add3A_36 = arith.constant 0 : i32
    %add3A_37 = arith.addi %add3A_35, %add3A_36 : i32
    %dma_start3A_38 = arith.constant 0 : i32
    %dma_start3A_39 = arith.constant 0 : i32
    %dma_start3A_40 = arith.constant 0 : i32
    %dma_start3A_41 = tpu.memref_slice %arg5[%dma_start3A_38, %dma_start3A_39, %dma_start3A_40] : memref<2x4x8192xf32, #tpu.memory_space<vmem>> -> memref<1x4x4096xf32, #tpu.memory_space<vmem>>
    %dma_start3A_42 = tpu.memref_squeeze %dma_start3A_41 : memref<1x4x4096xf32, #tpu.memory_space<vmem>> -> memref<4x4096xf32, #tpu.memory_space<vmem>>
    %dma_start3A_43 = arith.constant 0 : i32
    %dma_start3A_44 = tpu.memref_slice %arg3[%dma_start3A_43, %add3A_37] : memref<4x1048576xf32, #tpu.memory_space<hbm>> -> memref<4x4096xf32, #tpu.memory_space<hbm>>
    %dma_start3A_45 = arith.constant 0 : i32
    %dma_start3A_46 = tpu.memref_slice %arg3[%dma_start3A_45, %add3A_37] : memref<4x1048576xf32, #tpu.memory_space<hbm>> -> memref<4x4096xf32, #tpu.memory_space<hbm>>
    %dma_start3A_47 = arith.constant 0 : i32
    %dma_start3A_48 = arith.constant 0 : i32
    %dma_start3A_49 = tpu.memref_slice %arg5[%dma_start3A_38, %dma_start3A_47, %dma_start3A_48] : memref<2x4x8192xf32, #tpu.memory_space<vmem>> -> memref<1x4x4096xf32, #tpu.memory_space<vmem>>
    %dma_start3A_50 = tpu.memref_squeeze %dma_start3A_49 : memref<1x4x4096xf32, #tpu.memory_space<vmem>> -> memref<4x4096xf32, #tpu.memory_space<vmem>>
    tpu.enqueue_dma source(%dma_start3A_50 : memref<4x4096xf32, #tpu.memory_space<vmem>>) target(%dma_start3A_46 : memref<4x4096xf32, #tpu.memory_space<hbm>>) target_semaphore(%arg8 : memref<!tpu.dma_semaphore, #tpu.memory_space<semaphore_mem>>)
    %parallel_loop3A_51 = arith.constant 4096 : i32
    %parallel_loop3A_52 = arith.constant 8192 : i32
    %parallel_loop3A_53 = arith.constant 16 : i32
    %parallel_loop3A_54 = arith.constant 0 : i32
    %parallel_loop3A_55 = arith.constant 0 : i32
    scf.for %parallel_loop3A_358 = %parallel_loop3A_51 to %parallel_loop3A_52 step %parallel_loop3A_53  : i32 {
      %parallel_loop3A_359 = arith.constant 0 : i32
      %parallel_loop3A_360 = tpu.memref_slice %arg4[%parallel_loop3A_54, %parallel_loop3A_359] : memref<2x8192xi32, #tpu.memory_space<vmem>> -> memref<1x8192xi32, #tpu.memory_space<vmem>>
      %parallel_loop3A_361 = tpu.memref_squeeze %parallel_loop3A_360 : memref<1x8192xi32, #tpu.memory_space<vmem>> -> memref<8192xi32, #tpu.memory_space<vmem>>
      %parallel_loop3A_362 = arith.index_cast %parallel_loop3A_358 : i32 to index
      %parallel_loop3A_363 = tpu.vector_load %parallel_loop3A_361[%parallel_loop3A_362] {strides = array<i32>} : memref<8192xi32, #tpu.memory_space<vmem>>, vector<16xi32>,
      %parallel_loop3A_364 = vector.shape_cast %parallel_loop3A_363 : vector<16xi32> to vector<16xi32>
      %parallel_loop3A_365 = arith.constant 4 : i32
      %parallel_loop3A_366 = vector.broadcast %parallel_loop3A_365 : i32 to vector<16xi32>
      %parallel_loop3A_367 = arith.cmpi eq, %parallel_loop3A_364, %parallel_loop3A_366 : vector<16xi32>
      %parallel_loop3A_368 = arith.constant 2.500000e-01 : f32
      %parallel_loop3A_369 = arith.constant 0.000000e+00 : f32
      %parallel_loop3A_370 = vector.broadcast %parallel_loop3A_368 : f32 to vector<16xf32>
      %parallel_loop3A_371 = vector.broadcast %parallel_loop3A_369 : f32 to vector<16xf32>
      %parallel_loop3A_372 = arith.select %parallel_loop3A_367, %parallel_loop3A_370, %parallel_loop3A_371 : vector<16xi1>, vector<16xf32>
      %parallel_loop3A_373 = arith.constant 0 : i32
      %parallel_loop3A_374 = vector.broadcast %parallel_loop3A_373 : i32 to vector<16xi32>
      %parallel_loop3A_375 = arith.cmpi eq, %parallel_loop3A_364, %parallel_loop3A_374 : vector<16xi32>
      %parallel_loop3A_376 = arith.constant 1.000000e+00 : f32
      %parallel_loop3A_377 = vector.broadcast %parallel_loop3A_376 : f32 to vector<16xf32>
      %parallel_loop3A_378 = arith.select %parallel_loop3A_375, %parallel_loop3A_377, %parallel_loop3A_372 : vector<16xi1>, vector<16xf32>
      %parallel_loop3A_379 = arith.constant 0 : i32
      %parallel_loop3A_380 = arith.constant 0 : i32
      %parallel_loop3A_381 = arith.constant 0 : i32
      %parallel_loop3A_382 = tpu.memref_slice %arg5[%parallel_loop3A_55, %parallel_loop3A_380, %parallel_loop3A_381] : memref<2x4x8192xf32, #tpu.memory_space<vmem>> -> memref<1x4x8192xf32, #tpu.memory_space<vmem>>
      %parallel_loop3A_383 = tpu.memref_squeeze %parallel_loop3A_382 : memref<1x4x8192xf32, #tpu.memory_space<vmem>> -> memref<4x8192xf32, #tpu.memory_space<vmem>>
      %parallel_loop3A_384 = arith.index_cast %parallel_loop3A_379 : i32 to index
      %parallel_loop3A_385 = arith.index_cast %parallel_loop3A_358 : i32 to index
      %parallel_loop3A_386 = tpu.vector_load %parallel_loop3A_383[%parallel_loop3A_384, %parallel_loop3A_385] {strides = array<i32>} : memref<4x8192xf32, #tpu.memory_space<vmem>>, vector<1x16xf32>,
      %parallel_loop3A_387 = vector.shape_cast %parallel_loop3A_386 : vector<1x16xf32> to vector<16xf32>
      %parallel_loop3A_388 = vector.shape_cast %parallel_loop3A_378 : vector<16xf32> to vector<1x16xf32>
      tpu.vector_store %parallel_loop3A_383[%parallel_loop3A_384, %parallel_loop3A_385], %parallel_loop3A_388 {strides = array<i32>} : memref<4x8192xf32, #tpu.memory_space<vmem>>, vector<1x16xf32>,
      %parallel_loop3A_389 = arith.constant 1 : i32
      %parallel_loop3A_390 = vector.broadcast %parallel_loop3A_389 : i32 to vector<16xi32>
      %parallel_loop3A_391 = arith.cmpi eq, %parallel_loop3A_364, %parallel_loop3A_390 : vector<16xi32>
      %parallel_loop3A_392 = arith.constant 1.000000e+00 : f32
      %parallel_loop3A_393 = vector.broadcast %parallel_loop3A_392 : f32 to vector<16xf32>
      %parallel_loop3A_394 = arith.select %parallel_loop3A_391, %parallel_loop3A_393, %parallel_loop3A_372 : vector<16xi1>, vector<16xf32>
      %parallel_loop3A_395 = arith.constant 1 : i32
      %parallel_loop3A_396 = arith.constant 0 : i32
      %parallel_loop3A_397 = arith.constant 0 : i32
      %parallel_loop3A_398 = tpu.memref_slice %arg5[%parallel_loop3A_55, %parallel_loop3A_396, %parallel_loop3A_397] : memref<2x4x8192xf32, #tpu.memory_space<vmem>> -> memref<1x4x8192xf32, #tpu.memory_space<vmem>>
      %parallel_loop3A_399 = tpu.memref_squeeze %parallel_loop3A_398 : memref<1x4x8192xf32, #tpu.memory_space<vmem>> -> memref<4x8192xf32, #tpu.memory_space<vmem>>
      %parallel_loop3A_400 = arith.index_cast %parallel_loop3A_395 : i32 to index
      %parallel_loop3A_401 = arith.index_cast %parallel_loop3A_358 : i32 to index
      %parallel_loop3A_402 = tpu.vector_load %parallel_loop3A_399[%parallel_loop3A_400, %parallel_loop3A_401] {strides = array<i32>} : memref<4x8192xf32, #tpu.memory_space<vmem>>, vector<1x16xf32>,
      %parallel_loop3A_403 = vector.shape_cast %parallel_loop3A_402 : vector<1x16xf32> to vector<16xf32>
      %parallel_loop3A_404 = vector.shape_cast %parallel_loop3A_394 : vector<16xf32> to vector<1x16xf32>
      tpu.vector_store %parallel_loop3A_399[%parallel_loop3A_400, %parallel_loop3A_401], %parallel_loop3A_404 {strides = array<i32>} : memref<4x8192xf32, #tpu.memory_space<vmem>>, vector<1x16xf32>,
      %parallel_loop3A_405 = arith.constant 2 : i32
      %parallel_loop3A_406 = vector.broadcast %parallel_loop3A_405 : i32 to vector<16xi32>
      %parallel_loop3A_407 = arith.cmpi eq, %parallel_loop3A_364, %parallel_loop3A_406 : vector<16xi32>
      %parallel_loop3A_408 = arith.constant 1.000000e+00 : f32
      %parallel_loop3A_409 = vector.broadcast %parallel_loop3A_408 : f32 to vector<16xf32>
      %parallel_loop3A_410 = arith.select %parallel_loop3A_407, %parallel_loop3A_409, %parallel_loop3A_372 : vector<16xi1>, vector<16xf32>
      %parallel_loop3A_411 = arith.constant 2 : i32
      %parallel_loop3A_412 = arith.constant 0 : i32
      %parallel_loop3A_413 = arith.constant 0 : i32
      %parallel_loop3A_414 = tpu.memref_slice %arg5[%parallel_loop3A_55, %parallel_loop3A_412, %parallel_loop3A_413] : memref<2x4x8192xf32, #tpu.memory_space<vmem>> -> memref<1x4x8192xf32, #tpu.memory_space<vmem>>
      %parallel_loop3A_415 = tpu.memref_squeeze %parallel_loop3A_414 : memref<1x4x8192xf32, #tpu.memory_space<vmem>> -> memref<4x8192xf32, #tpu.memory_space<vmem>>
      %parallel_loop3A_416 = arith.index_cast %parallel_loop3A_411 : i32 to index
      %parallel_loop3A_417 = arith.index_cast %parallel_loop3A_358 : i32 to index
      %parallel_loop3A_418 = tpu.vector_load %parallel_loop3A_415[%parallel_loop3A_416, %parallel_loop3A_417] {strides = array<i32>} : memref<4x8192xf32, #tpu.memory_space<vmem>>, vector<1x16xf32>,
      %parallel_loop3A_419 = vector.shape_cast %parallel_loop3A_418 : vector<1x16xf32> to vector<16xf32>
      %parallel_loop3A_420 = vector.shape_cast %parallel_loop3A_410 : vector<16xf32> to vector<1x16xf32>
      tpu.vector_store %parallel_loop3A_415[%parallel_loop3A_416, %parallel_loop3A_417], %parallel_loop3A_420 {strides = array<i32>} : memref<4x8192xf32, #tpu.memory_space<vmem>>, vector<1x16xf32>,
      %parallel_loop3A_421 = arith.constant 3 : i32
      %parallel_loop3A_422 = vector.broadcast %parallel_loop3A_421 : i32 to vector<16xi32>
      %parallel_loop3A_423 = arith.cmpi eq, %parallel_loop3A_364, %parallel_loop3A_422 : vector<16xi32>
      %parallel_loop3A_424 = arith.constant 1.000000e+00 : f32
      %parallel_loop3A_425 = vector.broadcast %parallel_loop3A_424 : f32 to vector<16xf32>
      %parallel_loop3A_426 = arith.select %parallel_loop3A_423, %parallel_loop3A_425, %parallel_loop3A_372 : vector<16xi1>, vector<16xf32>
      %parallel_loop3A_427 = arith.constant 3 : i32
      %parallel_loop3A_428 = arith.constant 0 : i32
      %parallel_loop3A_429 = arith.constant 0 : i32
      %parallel_loop3A_430 = tpu.memref_slice %arg5[%parallel_loop3A_55, %parallel_loop3A_428, %parallel_loop3A_429] : memref<2x4x8192xf32, #tpu.memory_space<vmem>> -> memref<1x4x8192xf32, #tpu.memory_space<vmem>>
      %parallel_loop3A_431 = tpu.memref_squeeze %parallel_loop3A_430 : memref<1x4x8192xf32, #tpu.memory_space<vmem>> -> memref<4x8192xf32, #tpu.memory_space<vmem>>
      %parallel_loop3A_432 = arith.index_cast %parallel_loop3A_427 : i32 to index
      %parallel_loop3A_433 = arith.index_cast %parallel_loop3A_358 : i32 to index
      %parallel_loop3A_434 = tpu.vector_load %parallel_loop3A_431[%parallel_loop3A_432, %parallel_loop3A_433] {strides = array<i32>} : memref<4x8192xf32, #tpu.memory_space<vmem>>, vector<1x16xf32>,
      %parallel_loop3A_435 = vector.shape_cast %parallel_loop3A_434 : vector<1x16xf32> to vector<16xf32>
      %parallel_loop3A_436 = vector.shape_cast %parallel_loop3A_426 : vector<16xf32> to vector<1x16xf32>
      tpu.vector_store %parallel_loop3A_431[%parallel_loop3A_432, %parallel_loop3A_433], %parallel_loop3A_436 {strides = array<i32>} : memref<4x8192xf32, #tpu.memory_space<vmem>>, vector<1x16xf32>,
    } {sc.loop_unroll_factor = 2 : i64, sc.parallel_access}
    %add3A_56 = arith.constant 0 : i32
    %add3A_57 = arith.addi %mul3A_2, %add3A_56 : i32
    %add3A_58 = arith.constant 4096 : i32
    %add3A_59 = arith.addi %add3A_57, %add3A_58 : i32
    %dma_start3A_60 = arith.constant 0 : i32
    %dma_start3A_61 = arith.constant 0 : i32
    %dma_start3A_62 = arith.constant 4096 : i32
    %dma_start3A_63 = tpu.memref_slice %arg5[%dma_start3A_60, %dma_start3A_61, %dma_start3A_62] : memref<2x4x8192xf32, #tpu.memory_space<vmem>> -> memref<1x4x4096xf32, #tpu.memory_space<vmem>>
    %dma_start3A_64 = tpu.memref_squeeze %dma_start3A_63 : memref<1x4x4096xf32, #tpu.memory_space<vmem>> -> memref<4x4096xf32, #tpu.memory_space<vmem>>
    %dma_start3A_65 = arith.constant 0 : i32
    %dma_start3A_66 = tpu.memref_slice %arg3[%dma_start3A_65, %add3A_59] : memref<4x1048576xf32, #tpu.memory_space<hbm>> -> memref<4x4096xf32, #tpu.memory_space<hbm>>
    %dma_start3A_67 = arith.constant 0 : i32
    %dma_start3A_68 = tpu.memref_slice %arg3[%dma_start3A_67, %add3A_59] : memref<4x1048576xf32, #tpu.memory_space<hbm>> -> memref<4x4096xf32, #tpu.memory_space<hbm>>
    %dma_start3A_69 = arith.constant 0 : i32
    %dma_start3A_70 = arith.constant 4096 : i32
    %dma_start3A_71 = tpu.memref_slice %arg5[%dma_start3A_60, %dma_start3A_69, %dma_start3A_70] : memref<2x4x8192xf32, #tpu.memory_space<vmem>> -> memref<1x4x4096xf32, #tpu.memory_space<vmem>>
    %dma_start3A_72 = tpu.memref_squeeze %dma_start3A_71 : memref<1x4x4096xf32, #tpu.memory_space<vmem>> -> memref<4x4096xf32, #tpu.memory_space<vmem>>
    tpu.enqueue_dma source(%dma_start3A_72 : memref<4x4096xf32, #tpu.memory_space<vmem>>) target(%dma_start3A_68 : memref<4x4096xf32, #tpu.memory_space<hbm>>) target_semaphore(%arg9 : memref<!tpu.dma_semaphore, #tpu.memory_space<semaphore_mem>>)
    %add3A_73 = arith.constant 16384 : i32
    %add3A_74 = arith.addi %mul3A_2, %add3A_73 : i32
    %dma_start3A_75 = arith.constant 0 : i32
    %dma_start3A_76 = arith.constant 0 : i32
    %dma_start3A_77 = tpu.memref_slice %arg4[%dma_start3A_75, %dma_start3A_76] : memref<2x8192xi32, #tpu.memory_space<vmem>> -> memref<1x8192xi32, #tpu.memory_space<vmem>>
    %dma_start3A_78 = tpu.memref_squeeze %dma_start3A_77 : memref<1x8192xi32, #tpu.memory_space<vmem>> -> memref<8192xi32, #tpu.memory_space<vmem>>
    %dma_start3A_79 = tpu.memref_slice %arg2[%add3A_74] : memref<1048576xi32, #tpu.memory_space<hbm>> -> memref<8192xi32, #tpu.memory_space<hbm>>
    %dma_start3A_80 = arith.constant 0 : i32
    %dma_start3A_81 = tpu.memref_slice %arg4[%dma_start3A_75, %dma_start3A_80] : memref<2x8192xi32, #tpu.memory_space<vmem>> -> memref<1x8192xi32, #tpu.memory_space<vmem>>
    %dma_start3A_82 = tpu.memref_squeeze %dma_start3A_81 : memref<1x8192xi32, #tpu.memory_space<vmem>> -> memref<8192xi32, #tpu.memory_space<vmem>>
    %dma_start3A_83 = tpu.memref_slice %arg2[%add3A_74] : memref<1048576xi32, #tpu.memory_space<hbm>> -> memref<8192xi32, #tpu.memory_space<hbm>>
    tpu.enqueue_dma source(%dma_start3A_83 : memref<8192xi32, #tpu.memory_space<hbm>>) target(%dma_start3A_82 : memref<8192xi32, #tpu.memory_space<vmem>>) target_semaphore(%arg6 : memref<!tpu.dma_semaphore, #tpu.memory_space<semaphore_mem>>)
    %dma_wait3A_84 = arith.constant 1 : i32
    %dma_wait3A_85 = arith.constant 0 : i32
    %dma_wait3A_86 = tpu.memref_slice %arg4[%dma_wait3A_84, %dma_wait3A_85] : memref<2x8192xi32, #tpu.memory_space<vmem>> -> memref<1x8192xi32, #tpu.memory_space<vmem>>
    %dma_wait3A_87 = tpu.memref_squeeze %dma_wait3A_86 : memref<1x8192xi32, #tpu.memory_space<vmem>> -> memref<8192xi32, #tpu.memory_space<vmem>>
    %dma_wait3A_88 = tpu.memref_slice %arg2[%add3A_12] : memref<1048576xi32, #tpu.memory_space<hbm>> -> memref<8192xi32, #tpu.memory_space<hbm>>
    %dma_wait3A_89 = arith.constant 0 : i32
    %dma_wait3A_90 = tpu.memref_slice %arg4[%dma_wait3A_84, %dma_wait3A_89] : memref<2x8192xi32, #tpu.memory_space<vmem>> -> memref<1x8192xi32, #tpu.memory_space<vmem>>
    %dma_wait3A_91 = tpu.memref_squeeze %dma_wait3A_90 : memref<1x8192xi32, #tpu.memory_space<vmem>> -> memref<8192xi32, #tpu.memory_space<vmem>>
    %dma_wait3A_92 = tpu.memref_slice %arg2[%add3A_12] : memref<1048576xi32, #tpu.memory_space<hbm>> -> memref<8192xi32, #tpu.memory_space<hbm>>
    tpu.wait_dma2 semaphore(%arg7 : memref<!tpu.dma_semaphore, #tpu.memory_space<semaphore_mem>>) src(%dma_wait3A_92 : memref<8192xi32, #tpu.memory_space<hbm>>) dst(%dma_wait3A_91 : memref<8192xi32, #tpu.memory_space<vmem>>)
    %parallel_loop3A_93 = arith.constant 0 : i32
    %parallel_loop3A_94 = arith.constant 4096 : i32
    %parallel_loop3A_95 = arith.constant 16 : i32
    %parallel_loop3A_96 = arith.constant 1 : i32
    %parallel_loop3A_97 = arith.constant 1 : i32
    scf.for %parallel_loop3A_358 = %parallel_loop3A_93 to %parallel_loop3A_94 step %parallel_loop3A_95  : i32 {
      %parallel_loop3A_359 = arith.constant 0 : i32
      %parallel_loop3A_360 = tpu.memref_slice %arg4[%parallel_loop3A_96, %parallel_loop3A_359] : memref<2x8192xi32, #tpu.memory_space<vmem>> -> memref<1x8192xi32, #tpu.memory_space<vmem>>
      %parallel_loop3A_361 = tpu.memref_squeeze %parallel_loop3A_360 : memref<1x8192xi32, #tpu.memory_space<vmem>> -> memref<8192xi32, #tpu.memory_space<vmem>>
      %parallel_loop3A_362 = arith.index_cast %parallel_loop3A_358 : i32 to index
      %parallel_loop3A_363 = tpu.vector_load %parallel_loop3A_361[%parallel_loop3A_362] {strides = array<i32>} : memref<8192xi32, #tpu.memory_space<vmem>>, vector<16xi32>,
      %parallel_loop3A_364 = vector.shape_cast %parallel_loop3A_363 : vector<16xi32> to vector<16xi32>
      %parallel_loop3A_365 = arith.constant 4 : i32
      %parallel_loop3A_366 = vector.broadcast %parallel_loop3A_365 : i32 to vector<16xi32>
      %parallel_loop3A_367 = arith.cmpi eq, %parallel_loop3A_364, %parallel_loop3A_366 : vector<16xi32>
      %parallel_loop3A_368 = arith.constant 2.500000e-01 : f32
      %parallel_loop3A_369 = arith.constant 0.000000e+00 : f32
      %parallel_loop3A_370 = vector.broadcast %parallel_loop3A_368 : f32 to vector<16xf32>
      %parallel_loop3A_371 = vector.broadcast %parallel_loop3A_369 : f32 to vector<16xf32>
      %parallel_loop3A_372 = arith.select %parallel_loop3A_367, %parallel_loop3A_370, %parallel_loop3A_371 : vector<16xi1>, vector<16xf32>
      %parallel_loop3A_373 = arith.constant 0 : i32
      %parallel_loop3A_374 = vector.broadcast %parallel_loop3A_373 : i32 to vector<16xi32>
      %parallel_loop3A_375 = arith.cmpi eq, %parallel_loop3A_364, %parallel_loop3A_374 : vector<16xi32>
      %parallel_loop3A_376 = arith.constant 1.000000e+00 : f32
      %parallel_loop3A_377 = vector.broadcast %parallel_loop3A_376 : f32 to vector<16xf32>
      %parallel_loop3A_378 = arith.select %parallel_loop3A_375, %parallel_loop3A_377, %parallel_loop3A_372 : vector<16xi1>, vector<16xf32>
      %parallel_loop3A_379 = arith.constant 0 : i32
      %parallel_loop3A_380 = arith.constant 0 : i32
      %parallel_loop3A_381 = arith.constant 0 : i32
      %parallel_loop3A_382 = tpu.memref_slice %arg5[%parallel_loop3A_97, %parallel_loop3A_380, %parallel_loop3A_381] : memref<2x4x8192xf32, #tpu.memory_space<vmem>> -> memref<1x4x8192xf32, #tpu.memory_space<vmem>>
      %parallel_loop3A_383 = tpu.memref_squeeze %parallel_loop3A_382 : memref<1x4x8192xf32, #tpu.memory_space<vmem>> -> memref<4x8192xf32, #tpu.memory_space<vmem>>
      %parallel_loop3A_384 = arith.index_cast %parallel_loop3A_379 : i32 to index
      %parallel_loop3A_385 = arith.index_cast %parallel_loop3A_358 : i32 to index
      %parallel_loop3A_386 = tpu.vector_load %parallel_loop3A_383[%parallel_loop3A_384, %parallel_loop3A_385] {strides = array<i32>} : memref<4x8192xf32, #tpu.memory_space<vmem>>, vector<1x16xf32>,
      %parallel_loop3A_387 = vector.shape_cast %parallel_loop3A_386 : vector<1x16xf32> to vector<16xf32>
      %parallel_loop3A_388 = vector.shape_cast %parallel_loop3A_378 : vector<16xf32> to vector<1x16xf32>
      tpu.vector_store %parallel_loop3A_383[%parallel_loop3A_384, %parallel_loop3A_385], %parallel_loop3A_388 {strides = array<i32>} : memref<4x8192xf32, #tpu.memory_space<vmem>>, vector<1x16xf32>,
      %parallel_loop3A_389 = arith.constant 1 : i32
      %parallel_loop3A_390 = vector.broadcast %parallel_loop3A_389 : i32 to vector<16xi32>
      %parallel_loop3A_391 = arith.cmpi eq, %parallel_loop3A_364, %parallel_loop3A_390 : vector<16xi32>
      %parallel_loop3A_392 = arith.constant 1.000000e+00 : f32
      %parallel_loop3A_393 = vector.broadcast %parallel_loop3A_392 : f32 to vector<16xf32>
      %parallel_loop3A_394 = arith.select %parallel_loop3A_391, %parallel_loop3A_393, %parallel_loop3A_372 : vector<16xi1>, vector<16xf32>
      %parallel_loop3A_395 = arith.constant 1 : i32
      %parallel_loop3A_396 = arith.constant 0 : i32
      %parallel_loop3A_397 = arith.constant 0 : i32
      %parallel_loop3A_398 = tpu.memref_slice %arg5[%parallel_loop3A_97, %parallel_loop3A_396, %parallel_loop3A_397] : memref<2x4x8192xf32, #tpu.memory_space<vmem>> -> memref<1x4x8192xf32, #tpu.memory_space<vmem>>
      %parallel_loop3A_399 = tpu.memref_squeeze %parallel_loop3A_398 : memref<1x4x8192xf32, #tpu.memory_space<vmem>> -> memref<4x8192xf32, #tpu.memory_space<vmem>>
      %parallel_loop3A_400 = arith.index_cast %parallel_loop3A_395 : i32 to index
      %parallel_loop3A_401 = arith.index_cast %parallel_loop3A_358 : i32 to index
      %parallel_loop3A_402 = tpu.vector_load %parallel_loop3A_399[%parallel_loop3A_400, %parallel_loop3A_401] {strides = array<i32>} : memref<4x8192xf32, #tpu.memory_space<vmem>>, vector<1x16xf32>,
      %parallel_loop3A_403 = vector.shape_cast %parallel_loop3A_402 : vector<1x16xf32> to vector<16xf32>
      %parallel_loop3A_404 = vector.shape_cast %parallel_loop3A_394 : vector<16xf32> to vector<1x16xf32>
      tpu.vector_store %parallel_loop3A_399[%parallel_loop3A_400, %parallel_loop3A_401], %parallel_loop3A_404 {strides = array<i32>} : memref<4x8192xf32, #tpu.memory_space<vmem>>, vector<1x16xf32>,
      %parallel_loop3A_405 = arith.constant 2 : i32
      %parallel_loop3A_406 = vector.broadcast %parallel_loop3A_405 : i32 to vector<16xi32>
      %parallel_loop3A_407 = arith.cmpi eq, %parallel_loop3A_364, %parallel_loop3A_406 : vector<16xi32>
      %parallel_loop3A_408 = arith.constant 1.000000e+00 : f32
      %parallel_loop3A_409 = vector.broadcast %parallel_loop3A_408 : f32 to vector<16xf32>
      %parallel_loop3A_410 = arith.select %parallel_loop3A_407, %parallel_loop3A_409, %parallel_loop3A_372 : vector<16xi1>, vector<16xf32>
      %parallel_loop3A_411 = arith.constant 2 : i32
      %parallel_loop3A_412 = arith.constant 0 : i32
      %parallel_loop3A_413 = arith.constant 0 : i32
      %parallel_loop3A_414 = tpu.memref_slice %arg5[%parallel_loop3A_97, %parallel_loop3A_412, %parallel_loop3A_413] : memref<2x4x8192xf32, #tpu.memory_space<vmem>> -> memref<1x4x8192xf32, #tpu.memory_space<vmem>>
      %parallel_loop3A_415 = tpu.memref_squeeze %parallel_loop3A_414 : memref<1x4x8192xf32, #tpu.memory_space<vmem>> -> memref<4x8192xf32, #tpu.memory_space<vmem>>
      %parallel_loop3A_416 = arith.index_cast %parallel_loop3A_411 : i32 to index
      %parallel_loop3A_417 = arith.index_cast %parallel_loop3A_358 : i32 to index
      %parallel_loop3A_418 = tpu.vector_load %parallel_loop3A_415[%parallel_loop3A_416, %parallel_loop3A_417] {strides = array<i32>} : memref<4x8192xf32, #tpu.memory_space<vmem>>, vector<1x16xf32>,
      %parallel_loop3A_419 = vector.shape_cast %parallel_loop3A_418 : vector<1x16xf32> to vector<16xf32>
      %parallel_loop3A_420 = vector.shape_cast %parallel_loop3A_410 : vector<16xf32> to vector<1x16xf32>
      tpu.vector_store %parallel_loop3A_415[%parallel_loop3A_416, %parallel_loop3A_417], %parallel_loop3A_420 {strides = array<i32>} : memref<4x8192xf32, #tpu.memory_space<vmem>>, vector<1x16xf32>,
      %parallel_loop3A_421 = arith.constant 3 : i32
      %parallel_loop3A_422 = vector.broadcast %parallel_loop3A_421 : i32 to vector<16xi32>
      %parallel_loop3A_423 = arith.cmpi eq, %parallel_loop3A_364, %parallel_loop3A_422 : vector<16xi32>
      %parallel_loop3A_424 = arith.constant 1.000000e+00 : f32
      %parallel_loop3A_425 = vector.broadcast %parallel_loop3A_424 : f32 to vector<16xf32>
      %parallel_loop3A_426 = arith.select %parallel_loop3A_423, %parallel_loop3A_425, %parallel_loop3A_372 : vector<16xi1>, vector<16xf32>
      %parallel_loop3A_427 = arith.constant 3 : i32
      %parallel_loop3A_428 = arith.constant 0 : i32
      %parallel_loop3A_429 = arith.constant 0 : i32
      %parallel_loop3A_430 = tpu.memref_slice %arg5[%parallel_loop3A_97, %parallel_loop3A_428, %parallel_loop3A_429] : memref<2x4x8192xf32, #tpu.memory_space<vmem>> -> memref<1x4x8192xf32, #tpu.memory_space<vmem>>
      %parallel_loop3A_431 = tpu.memref_squeeze %parallel_loop3A_430 : memref<1x4x8192xf32, #tpu.memory_space<vmem>> -> memref<4x8192xf32, #tpu.memory_space<vmem>>
      %parallel_loop3A_432 = arith.index_cast %parallel_loop3A_427 : i32 to index
      %parallel_loop3A_433 = arith.index_cast %parallel_loop3A_358 : i32 to index
      %parallel_loop3A_434 = tpu.vector_load %parallel_loop3A_431[%parallel_loop3A_432, %parallel_loop3A_433] {strides = array<i32>} : memref<4x8192xf32, #tpu.memory_space<vmem>>, vector<1x16xf32>,
      %parallel_loop3A_435 = vector.shape_cast %parallel_loop3A_434 : vector<1x16xf32> to vector<16xf32>
      %parallel_loop3A_436 = vector.shape_cast %parallel_loop3A_426 : vector<16xf32> to vector<1x16xf32>
      tpu.vector_store %parallel_loop3A_431[%parallel_loop3A_432, %parallel_loop3A_433], %parallel_loop3A_436 {strides = array<i32>} : memref<4x8192xf32, #tpu.memory_space<vmem>>, vector<1x16xf32>,
    } {sc.loop_unroll_factor = 2 : i64, sc.parallel_access}
    %add3A_98 = arith.constant 8192 : i32
    %add3A_99 = arith.addi %mul3A_2, %add3A_98 : i32
    %add3A_100 = arith.constant 0 : i32
    %add3A_101 = arith.addi %add3A_99, %add3A_100 : i32
    %dma_start3A_102 = arith.constant 1 : i32
    %dma_start3A_103 = arith.constant 0 : i32
    %dma_start3A_104 = arith.constant 0 : i32
    %dma_start3A_105 = tpu.memref_slice %arg5[%dma_start3A_102, %dma_start3A_103, %dma_start3A_104] : memref<2x4x8192xf32, #tpu.memory_space<vmem>> -> memref<1x4x4096xf32, #tpu.memory_space<vmem>>
    %dma_start3A_106 = tpu.memref_squeeze %dma_start3A_105 : memref<1x4x4096xf32, #tpu.memory_space<vmem>> -> memref<4x4096xf32, #tpu.memory_space<vmem>>
    %dma_start3A_107 = arith.constant 0 : i32
    %dma_start3A_108 = tpu.memref_slice %arg3[%dma_start3A_107, %add3A_101] : memref<4x1048576xf32, #tpu.memory_space<hbm>> -> memref<4x4096xf32, #tpu.memory_space<hbm>>
    %dma_start3A_109 = arith.constant 0 : i32
    %dma_start3A_110 = tpu.memref_slice %arg3[%dma_start3A_109, %add3A_101] : memref<4x1048576xf32, #tpu.memory_space<hbm>> -> memref<4x4096xf32, #tpu.memory_space<hbm>>
    %dma_start3A_111 = arith.constant 0 : i32
    %dma_start3A_112 = arith.constant 0 : i32
    %dma_start3A_113 = tpu.memref_slice %arg5[%dma_start3A_102, %dma_start3A_111, %dma_start3A_112] : memref<2x4x8192xf32, #tpu.memory_space<vmem>> -> memref<1x4x4096xf32, #tpu.memory_space<vmem>>
    %dma_start3A_114 = tpu.memref_squeeze %dma_start3A_113 : memref<1x4x4096xf32, #tpu.memory_space<vmem>> -> memref<4x4096xf32, #tpu.memory_space<vmem>>
    tpu.enqueue_dma source(%dma_start3A_114 : memref<4x4096xf32, #tpu.memory_space<vmem>>) target(%dma_start3A_110 : memref<4x4096xf32, #tpu.memory_space<hbm>>) target_semaphore(%arg10 : memref<!tpu.dma_semaphore, #tpu.memory_space<semaphore_mem>>)
    %parallel_loop3A_115 = arith.constant 4096 : i32
    %parallel_loop3A_116 = arith.constant 8192 : i32
    %parallel_loop3A_117 = arith.constant 16 : i32
    %parallel_loop3A_118 = arith.constant 1 : i32
    %parallel_loop3A_119 = arith.constant 1 : i32
    scf.for %parallel_loop3A_358 = %parallel_loop3A_115 to %parallel_loop3A_116 step %parallel_loop3A_117  : i32 {
      %parallel_loop3A_359 = arith.constant 0 : i32
      %parallel_loop3A_360 = tpu.memref_slice %arg4[%parallel_loop3A_118, %parallel_loop3A_359] : memref<2x8192xi32, #tpu.memory_space<vmem>> -> memref<1x8192xi32, #tpu.memory_space<vmem>>
      %parallel_loop3A_361 = tpu.memref_squeeze %parallel_loop3A_360 : memref<1x8192xi32, #tpu.memory_space<vmem>> -> memref<8192xi32, #tpu.memory_space<vmem>>
      %parallel_loop3A_362 = arith.index_cast %parallel_loop3A_358 : i32 to index
      %parallel_loop3A_363 = tpu.vector_load %parallel_loop3A_361[%parallel_loop3A_362] {strides = array<i32>} : memref<8192xi32, #tpu.memory_space<vmem>>, vector<16xi32>,
      %parallel_loop3A_364 = vector.shape_cast %parallel_loop3A_363 : vector<16xi32> to vector<16xi32>
      %parallel_loop3A_365 = arith.constant 4 : i32
      %parallel_loop3A_366 = vector.broadcast %parallel_loop3A_365 : i32 to vector<16xi32>
      %parallel_loop3A_367 = arith.cmpi eq, %parallel_loop3A_364, %parallel_loop3A_366 : vector<16xi32>
      %parallel_loop3A_368 = arith.constant 2.500000e-01 : f32
      %parallel_loop3A_369 = arith.constant 0.000000e+00 : f32
      %parallel_loop3A_370 = vector.broadcast %parallel_loop3A_368 : f32 to vector<16xf32>
      %parallel_loop3A_371 = vector.broadcast %parallel_loop3A_369 : f32 to vector<16xf32>
      %parallel_loop3A_372 = arith.select %parallel_loop3A_367, %parallel_loop3A_370, %parallel_loop3A_371 : vector<16xi1>, vector<16xf32>
      %parallel_loop3A_373 = arith.constant 0 : i32
      %parallel_loop3A_374 = vector.broadcast %parallel_loop3A_373 : i32 to vector<16xi32>
      %parallel_loop3A_375 = arith.cmpi eq, %parallel_loop3A_364, %parallel_loop3A_374 : vector<16xi32>
      %parallel_loop3A_376 = arith.constant 1.000000e+00 : f32
      %parallel_loop3A_377 = vector.broadcast %parallel_loop3A_376 : f32 to vector<16xf32>
      %parallel_loop3A_378 = arith.select %parallel_loop3A_375, %parallel_loop3A_377, %parallel_loop3A_372 : vector<16xi1>, vector<16xf32>
      %parallel_loop3A_379 = arith.constant 0 : i32
      %parallel_loop3A_380 = arith.constant 0 : i32
      %parallel_loop3A_381 = arith.constant 0 : i32
      %parallel_loop3A_382 = tpu.memref_slice %arg5[%parallel_loop3A_119, %parallel_loop3A_380, %parallel_loop3A_381] : memref<2x4x8192xf32, #tpu.memory_space<vmem>> -> memref<1x4x8192xf32, #tpu.memory_space<vmem>>
      %parallel_loop3A_383 = tpu.memref_squeeze %parallel_loop3A_382 : memref<1x4x8192xf32, #tpu.memory_space<vmem>> -> memref<4x8192xf32, #tpu.memory_space<vmem>>
      %parallel_loop3A_384 = arith.index_cast %parallel_loop3A_379 : i32 to index
      %parallel_loop3A_385 = arith.index_cast %parallel_loop3A_358 : i32 to index
      %parallel_loop3A_386 = tpu.vector_load %parallel_loop3A_383[%parallel_loop3A_384, %parallel_loop3A_385] {strides = array<i32>} : memref<4x8192xf32, #tpu.memory_space<vmem>>, vector<1x16xf32>,
      %parallel_loop3A_387 = vector.shape_cast %parallel_loop3A_386 : vector<1x16xf32> to vector<16xf32>
      %parallel_loop3A_388 = vector.shape_cast %parallel_loop3A_378 : vector<16xf32> to vector<1x16xf32>
      tpu.vector_store %parallel_loop3A_383[%parallel_loop3A_384, %parallel_loop3A_385], %parallel_loop3A_388 {strides = array<i32>} : memref<4x8192xf32, #tpu.memory_space<vmem>>, vector<1x16xf32>,
      %parallel_loop3A_389 = arith.constant 1 : i32
      %parallel_loop3A_390 = vector.broadcast %parallel_loop3A_389 : i32 to vector<16xi32>
      %parallel_loop3A_391 = arith.cmpi eq, %parallel_loop3A_364, %parallel_loop3A_390 : vector<16xi32>
      %parallel_loop3A_392 = arith.constant 1.000000e+00 : f32
      %parallel_loop3A_393 = vector.broadcast %parallel_loop3A_392 : f32 to vector<16xf32>
      %parallel_loop3A_394 = arith.select %parallel_loop3A_391, %parallel_loop3A_393, %parallel_loop3A_372 : vector<16xi1>, vector<16xf32>
      %parallel_loop3A_395 = arith.constant 1 : i32
      %parallel_loop3A_396 = arith.constant 0 : i32
      %parallel_loop3A_397 = arith.constant 0 : i32
      %parallel_loop3A_398 = tpu.memref_slice %arg5[%parallel_loop3A_119, %parallel_loop3A_396, %parallel_loop3A_397] : memref<2x4x8192xf32, #tpu.memory_space<vmem>> -> memref<1x4x8192xf32, #tpu.memory_space<vmem>>
      %parallel_loop3A_399 = tpu.memref_squeeze %parallel_loop3A_398 : memref<1x4x8192xf32, #tpu.memory_space<vmem>> -> memref<4x8192xf32, #tpu.memory_space<vmem>>
      %parallel_loop3A_400 = arith.index_cast %parallel_loop3A_395 : i32 to index
      %parallel_loop3A_401 = arith.index_cast %parallel_loop3A_358 : i32 to index
      %parallel_loop3A_402 = tpu.vector_load %parallel_loop3A_399[%parallel_loop3A_400, %parallel_loop3A_401] {strides = array<i32>} : memref<4x8192xf32, #tpu.memory_space<vmem>>, vector<1x16xf32>,
      %parallel_loop3A_403 = vector.shape_cast %parallel_loop3A_402 : vector<1x16xf32> to vector<16xf32>
      %parallel_loop3A_404 = vector.shape_cast %parallel_loop3A_394 : vector<16xf32> to vector<1x16xf32>
      tpu.vector_store %parallel_loop3A_399[%parallel_loop3A_400, %parallel_loop3A_401], %parallel_loop3A_404 {strides = array<i32>} : memref<4x8192xf32, #tpu.memory_space<vmem>>, vector<1x16xf32>,
      %parallel_loop3A_405 = arith.constant 2 : i32
      %parallel_loop3A_406 = vector.broadcast %parallel_loop3A_405 : i32 to vector<16xi32>
      %parallel_loop3A_407 = arith.cmpi eq, %parallel_loop3A_364, %parallel_loop3A_406 : vector<16xi32>
      %parallel_loop3A_408 = arith.constant 1.000000e+00 : f32
      %parallel_loop3A_409 = vector.broadcast %parallel_loop3A_408 : f32 to vector<16xf32>
      %parallel_loop3A_410 = arith.select %parallel_loop3A_407, %parallel_loop3A_409, %parallel_loop3A_372 : vector<16xi1>, vector<16xf32>
      %parallel_loop3A_411 = arith.constant 2 : i32
      %parallel_loop3A_412 = arith.constant 0 : i32
      %parallel_loop3A_413 = arith.constant 0 : i32
      %parallel_loop3A_414 = tpu.memref_slice %arg5[%parallel_loop3A_119, %parallel_loop3A_412, %parallel_loop3A_413] : memref<2x4x8192xf32, #tpu.memory_space<vmem>> -> memref<1x4x8192xf32, #tpu.memory_space<vmem>>
      %parallel_loop3A_415 = tpu.memref_squeeze %parallel_loop3A_414 : memref<1x4x8192xf32, #tpu.memory_space<vmem>> -> memref<4x8192xf32, #tpu.memory_space<vmem>>
      %parallel_loop3A_416 = arith.index_cast %parallel_loop3A_411 : i32 to index
      %parallel_loop3A_417 = arith.index_cast %parallel_loop3A_358 : i32 to index
      %parallel_loop3A_418 = tpu.vector_load %parallel_loop3A_415[%parallel_loop3A_416, %parallel_loop3A_417] {strides = array<i32>} : memref<4x8192xf32, #tpu.memory_space<vmem>>, vector<1x16xf32>,
      %parallel_loop3A_419 = vector.shape_cast %parallel_loop3A_418 : vector<1x16xf32> to vector<16xf32>
      %parallel_loop3A_420 = vector.shape_cast %parallel_loop3A_410 : vector<16xf32> to vector<1x16xf32>
      tpu.vector_store %parallel_loop3A_415[%parallel_loop3A_416, %parallel_loop3A_417], %parallel_loop3A_420 {strides = array<i32>} : memref<4x8192xf32, #tpu.memory_space<vmem>>, vector<1x16xf32>,
      %parallel_loop3A_421 = arith.constant 3 : i32
      %parallel_loop3A_422 = vector.broadcast %parallel_loop3A_421 : i32 to vector<16xi32>
      %parallel_loop3A_423 = arith.cmpi eq, %parallel_loop3A_364, %parallel_loop3A_422 : vector<16xi32>
      %parallel_loop3A_424 = arith.constant 1.000000e+00 : f32
      %parallel_loop3A_425 = vector.broadcast %parallel_loop3A_424 : f32 to vector<16xf32>
      %parallel_loop3A_426 = arith.select %parallel_loop3A_423, %parallel_loop3A_425, %parallel_loop3A_372 : vector<16xi1>, vector<16xf32>
      %parallel_loop3A_427 = arith.constant 3 : i32
      %parallel_loop3A_428 = arith.constant 0 : i32
      %parallel_loop3A_429 = arith.constant 0 : i32
      %parallel_loop3A_430 = tpu.memref_slice %arg5[%parallel_loop3A_119, %parallel_loop3A_428, %parallel_loop3A_429] : memref<2x4x8192xf32, #tpu.memory_space<vmem>> -> memref<1x4x8192xf32, #tpu.memory_space<vmem>>
      %parallel_loop3A_431 = tpu.memref_squeeze %parallel_loop3A_430 : memref<1x4x8192xf32, #tpu.memory_space<vmem>> -> memref<4x8192xf32, #tpu.memory_space<vmem>>
      %parallel_loop3A_432 = arith.index_cast %parallel_loop3A_427 : i32 to index
      %parallel_loop3A_433 = arith.index_cast %parallel_loop3A_358 : i32 to index
      %parallel_loop3A_434 = tpu.vector_load %parallel_loop3A_431[%parallel_loop3A_432, %parallel_loop3A_433] {strides = array<i32>} : memref<4x8192xf32, #tpu.memory_space<vmem>>, vector<1x16xf32>,
      %parallel_loop3A_435 = vector.shape_cast %parallel_loop3A_434 : vector<1x16xf32> to vector<16xf32>
      %parallel_loop3A_436 = vector.shape_cast %parallel_loop3A_426 : vector<16xf32> to vector<1x16xf32>
      tpu.vector_store %parallel_loop3A_431[%parallel_loop3A_432, %parallel_loop3A_433], %parallel_loop3A_436 {strides = array<i32>} : memref<4x8192xf32, #tpu.memory_space<vmem>>, vector<1x16xf32>,
    } {sc.loop_unroll_factor = 2 : i64, sc.parallel_access}
    %add3A_120 = arith.constant 8192 : i32
    %add3A_121 = arith.addi %mul3A_2, %add3A_120 : i32
    %add3A_122 = arith.constant 4096 : i32
    %add3A_123 = arith.addi %add3A_121, %add3A_122 : i32
    %dma_start3A_124 = arith.constant 1 : i32
    %dma_start3A_125 = arith.constant 0 : i32
    %dma_start3A_126 = arith.constant 4096 : i32
    %dma_start3A_127 = tpu.memref_slice %arg5[%dma_start3A_124, %dma_start3A_125, %dma_start3A_126] : memref<2x4x8192xf32, #tpu.memory_space<vmem>> -> memref<1x4x4096xf32, #tpu.memory_space<vmem>>
    %dma_start3A_128 = tpu.memref_squeeze %dma_start3A_127 : memref<1x4x4096xf32, #tpu.memory_space<vmem>> -> memref<4x4096xf32, #tpu.memory_space<vmem>>
    %dma_start3A_129 = arith.constant 0 : i32
    %dma_start3A_130 = tpu.memref_slice %arg3[%dma_start3A_129, %add3A_123] : memref<4x1048576xf32, #tpu.memory_space<hbm>> -> memref<4x4096xf32, #tpu.memory_space<hbm>>
    %dma_start3A_131 = arith.constant 0 : i32
    %dma_start3A_132 = tpu.memref_slice %arg3[%dma_start3A_131, %add3A_123] : memref<4x1048576xf32, #tpu.memory_space<hbm>> -> memref<4x4096xf32, #tpu.memory_space<hbm>>
    %dma_start3A_133 = arith.constant 0 : i32
    %dma_start3A_134 = arith.constant 4096 : i32
    %dma_start3A_135 = tpu.memref_slice %arg5[%dma_start3A_124, %dma_start3A_133, %dma_start3A_134] : memref<2x4x8192xf32, #tpu.memory_space<vmem>> -> memref<1x4x4096xf32, #tpu.memory_space<vmem>>
    %dma_start3A_136 = tpu.memref_squeeze %dma_start3A_135 : memref<1x4x4096xf32, #tpu.memory_space<vmem>> -> memref<4x4096xf32, #tpu.memory_space<vmem>>
    tpu.enqueue_dma source(%dma_start3A_136 : memref<4x4096xf32, #tpu.memory_space<vmem>>) target(%dma_start3A_132 : memref<4x4096xf32, #tpu.memory_space<hbm>>) target_semaphore(%arg11 : memref<!tpu.dma_semaphore, #tpu.memory_space<semaphore_mem>>)
    %add3A_137 = arith.constant 24576 : i32
    %add3A_138 = arith.addi %mul3A_2, %add3A_137 : i32
    %dma_start3A_139 = arith.constant 1 : i32
    %dma_start3A_140 = arith.constant 0 : i32
    %dma_start3A_141 = tpu.memref_slice %arg4[%dma_start3A_139, %dma_start3A_140] : memref<2x8192xi32, #tpu.memory_space<vmem>> -> memref<1x8192xi32, #tpu.memory_space<vmem>>
    %dma_start3A_142 = tpu.memref_squeeze %dma_start3A_141 : memref<1x8192xi32, #tpu.memory_space<vmem>> -> memref<8192xi32, #tpu.memory_space<vmem>>
    %dma_start3A_143 = tpu.memref_slice %arg2[%add3A_138] : memref<1048576xi32, #tpu.memory_space<hbm>> -> memref<8192xi32, #tpu.memory_space<hbm>>
    %dma_start3A_144 = arith.constant 0 : i32
    %dma_start3A_145 = tpu.memref_slice %arg4[%dma_start3A_139, %dma_start3A_144] : memref<2x8192xi32, #tpu.memory_space<vmem>> -> memref<1x8192xi32, #tpu.memory_space<vmem>>
    %dma_start3A_146 = tpu.memref_squeeze %dma_start3A_145 : memref<1x8192xi32, #tpu.memory_space<vmem>> -> memref<8192xi32, #tpu.memory_space<vmem>>
    %dma_start3A_147 = tpu.memref_slice %arg2[%add3A_138] : memref<1048576xi32, #tpu.memory_space<hbm>> -> memref<8192xi32, #tpu.memory_space<hbm>>
    tpu.enqueue_dma source(%dma_start3A_147 : memref<8192xi32, #tpu.memory_space<hbm>>) target(%dma_start3A_146 : memref<8192xi32, #tpu.memory_space<vmem>>) target_semaphore(%arg7 : memref<!tpu.dma_semaphore, #tpu.memory_space<semaphore_mem>>)
    %dma_wait3A_148 = arith.constant 0 : i32
    %dma_wait3A_149 = arith.constant 0 : i32
    %dma_wait3A_150 = tpu.memref_slice %arg4[%dma_wait3A_148, %dma_wait3A_149] : memref<2x8192xi32, #tpu.memory_space<vmem>> -> memref<1x8192xi32, #tpu.memory_space<vmem>>
    %dma_wait3A_151 = tpu.memref_squeeze %dma_wait3A_150 : memref<1x8192xi32, #tpu.memory_space<vmem>> -> memref<8192xi32, #tpu.memory_space<vmem>>
    %dma_wait3A_152 = tpu.memref_slice %arg2[%add3A_74] : memref<1048576xi32, #tpu.memory_space<hbm>> -> memref<8192xi32, #tpu.memory_space<hbm>>
    %dma_wait3A_153 = arith.constant 0 : i32
    %dma_wait3A_154 = tpu.memref_slice %arg4[%dma_wait3A_148, %dma_wait3A_153] : memref<2x8192xi32, #tpu.memory_space<vmem>> -> memref<1x8192xi32, #tpu.memory_space<vmem>>
    %dma_wait3A_155 = tpu.memref_squeeze %dma_wait3A_154 : memref<1x8192xi32, #tpu.memory_space<vmem>> -> memref<8192xi32, #tpu.memory_space<vmem>>
    %dma_wait3A_156 = tpu.memref_slice %arg2[%add3A_74] : memref<1048576xi32, #tpu.memory_space<hbm>> -> memref<8192xi32, #tpu.memory_space<hbm>>
    tpu.wait_dma2 semaphore(%arg6 : memref<!tpu.dma_semaphore, #tpu.memory_space<semaphore_mem>>) src(%dma_wait3A_156 : memref<8192xi32, #tpu.memory_space<hbm>>) dst(%dma_wait3A_155 : memref<8192xi32, #tpu.memory_space<vmem>>)
    %dma_wait3A_157 = arith.constant 0 : i32
    %dma_wait3A_158 = arith.constant 0 : i32
    %dma_wait3A_159 = arith.constant 0 : i32
    %dma_wait3A_160 = tpu.memref_slice %arg5[%dma_wait3A_157, %dma_wait3A_158, %dma_wait3A_159] : memref<2x4x8192xf32, #tpu.memory_space<vmem>> -> memref<1x4x4096xf32, #tpu.memory_space<vmem>>
    %dma_wait3A_161 = tpu.memref_squeeze %dma_wait3A_160 : memref<1x4x4096xf32, #tpu.memory_space<vmem>> -> memref<4x4096xf32, #tpu.memory_space<vmem>>
    %dma_wait3A_162 = arith.constant 0 : i32
    %dma_wait3A_163 = tpu.memref_slice %arg3[%dma_wait3A_162, %add3A_37] : memref<4x1048576xf32, #tpu.memory_space<hbm>> -> memref<4x4096xf32, #tpu.memory_space<hbm>>
    %dma_wait3A_164 = arith.constant 0 : i32
    %dma_wait3A_165 = tpu.memref_slice %arg3[%dma_wait3A_164, %add3A_37] : memref<4x1048576xf32, #tpu.memory_space<hbm>> -> memref<4x4096xf32, #tpu.memory_space<hbm>>
    %dma_wait3A_166 = arith.constant 0 : i32
    %dma_wait3A_167 = arith.constant 0 : i32
    %dma_wait3A_168 = tpu.memref_slice %arg5[%dma_wait3A_157, %dma_wait3A_166, %dma_wait3A_167] : memref<2x4x8192xf32, #tpu.memory_space<vmem>> -> memref<1x4x4096xf32, #tpu.memory_space<vmem>>
    %dma_wait3A_169 = tpu.memref_squeeze %dma_wait3A_168 : memref<1x4x4096xf32, #tpu.memory_space<vmem>> -> memref<4x4096xf32, #tpu.memory_space<vmem>>
    tpu.wait_dma2 semaphore(%arg8 : memref<!tpu.dma_semaphore, #tpu.memory_space<semaphore_mem>>) src(%dma_wait3A_169 : memref<4x4096xf32, #tpu.memory_space<vmem>>) dst(%dma_wait3A_165 : memref<4x4096xf32, #tpu.memory_space<hbm>>)
    %parallel_loop3A_170 = arith.constant 0 : i32
    %parallel_loop3A_171 = arith.constant 4096 : i32
    %parallel_loop3A_172 = arith.constant 16 : i32
    %parallel_loop3A_173 = arith.constant 0 : i32
    %parallel_loop3A_174 = arith.constant 0 : i32
    scf.for %parallel_loop3A_358 = %parallel_loop3A_170 to %parallel_loop3A_171 step %parallel_loop3A_172  : i32 {
      %parallel_loop3A_359 = arith.constant 0 : i32
      %parallel_loop3A_360 = tpu.memref_slice %arg4[%parallel_loop3A_173, %parallel_loop3A_359] : memref<2x8192xi32, #tpu.memory_space<vmem>> -> memref<1x8192xi32, #tpu.memory_space<vmem>>
      %parallel_loop3A_361 = tpu.memref_squeeze %parallel_loop3A_360 : memref<1x8192xi32, #tpu.memory_space<vmem>> -> memref<8192xi32, #tpu.memory_space<vmem>>
      %parallel_loop3A_362 = arith.index_cast %parallel_loop3A_358 : i32 to index
      %parallel_loop3A_363 = tpu.vector_load %parallel_loop3A_361[%parallel_loop3A_362] {strides = array<i32>} : memref<8192xi32, #tpu.memory_space<vmem>>, vector<16xi32>,
      %parallel_loop3A_364 = vector.shape_cast %parallel_loop3A_363 : vector<16xi32> to vector<16xi32>
      %parallel_loop3A_365 = arith.constant 4 : i32
      %parallel_loop3A_366 = vector.broadcast %parallel_loop3A_365 : i32 to vector<16xi32>
      %parallel_loop3A_367 = arith.cmpi eq, %parallel_loop3A_364, %parallel_loop3A_366 : vector<16xi32>
      %parallel_loop3A_368 = arith.constant 2.500000e-01 : f32
      %parallel_loop3A_369 = arith.constant 0.000000e+00 : f32
      %parallel_loop3A_370 = vector.broadcast %parallel_loop3A_368 : f32 to vector<16xf32>
      %parallel_loop3A_371 = vector.broadcast %parallel_loop3A_369 : f32 to vector<16xf32>
      %parallel_loop3A_372 = arith.select %parallel_loop3A_367, %parallel_loop3A_370, %parallel_loop3A_371 : vector<16xi1>, vector<16xf32>
      %parallel_loop3A_373 = arith.constant 0 : i32
      %parallel_loop3A_374 = vector.broadcast %parallel_loop3A_373 : i32 to vector<16xi32>
      %parallel_loop3A_375 = arith.cmpi eq, %parallel_loop3A_364, %parallel_loop3A_374 : vector<16xi32>
      %parallel_loop3A_376 = arith.constant 1.000000e+00 : f32
      %parallel_loop3A_377 = vector.broadcast %parallel_loop3A_376 : f32 to vector<16xf32>
      %parallel_loop3A_378 = arith.select %parallel_loop3A_375, %parallel_loop3A_377, %parallel_loop3A_372 : vector<16xi1>, vector<16xf32>
      %parallel_loop3A_379 = arith.constant 0 : i32
      %parallel_loop3A_380 = arith.constant 0 : i32
      %parallel_loop3A_381 = arith.constant 0 : i32
      %parallel_loop3A_382 = tpu.memref_slice %arg5[%parallel_loop3A_174, %parallel_loop3A_380, %parallel_loop3A_381] : memref<2x4x8192xf32, #tpu.memory_space<vmem>> -> memref<1x4x8192xf32, #tpu.memory_space<vmem>>
      %parallel_loop3A_383 = tpu.memref_squeeze %parallel_loop3A_382 : memref<1x4x8192xf32, #tpu.memory_space<vmem>> -> memref<4x8192xf32, #tpu.memory_space<vmem>>
      %parallel_loop3A_384 = arith.index_cast %parallel_loop3A_379 : i32 to index
      %parallel_loop3A_385 = arith.index_cast %parallel_loop3A_358 : i32 to index
      %parallel_loop3A_386 = tpu.vector_load %parallel_loop3A_383[%parallel_loop3A_384, %parallel_loop3A_385] {strides = array<i32>} : memref<4x8192xf32, #tpu.memory_space<vmem>>, vector<1x16xf32>,
      %parallel_loop3A_387 = vector.shape_cast %parallel_loop3A_386 : vector<1x16xf32> to vector<16xf32>
      %parallel_loop3A_388 = vector.shape_cast %parallel_loop3A_378 : vector<16xf32> to vector<1x16xf32>
      tpu.vector_store %parallel_loop3A_383[%parallel_loop3A_384, %parallel_loop3A_385], %parallel_loop3A_388 {strides = array<i32>} : memref<4x8192xf32, #tpu.memory_space<vmem>>, vector<1x16xf32>,
      %parallel_loop3A_389 = arith.constant 1 : i32
      %parallel_loop3A_390 = vector.broadcast %parallel_loop3A_389 : i32 to vector<16xi32>
      %parallel_loop3A_391 = arith.cmpi eq, %parallel_loop3A_364, %parallel_loop3A_390 : vector<16xi32>
      %parallel_loop3A_392 = arith.constant 1.000000e+00 : f32
      %parallel_loop3A_393 = vector.broadcast %parallel_loop3A_392 : f32 to vector<16xf32>
      %parallel_loop3A_394 = arith.select %parallel_loop3A_391, %parallel_loop3A_393, %parallel_loop3A_372 : vector<16xi1>, vector<16xf32>
      %parallel_loop3A_395 = arith.constant 1 : i32
      %parallel_loop3A_396 = arith.constant 0 : i32
      %parallel_loop3A_397 = arith.constant 0 : i32
      %parallel_loop3A_398 = tpu.memref_slice %arg5[%parallel_loop3A_174, %parallel_loop3A_396, %parallel_loop3A_397] : memref<2x4x8192xf32, #tpu.memory_space<vmem>> -> memref<1x4x8192xf32, #tpu.memory_space<vmem>>
      %parallel_loop3A_399 = tpu.memref_squeeze %parallel_loop3A_398 : memref<1x4x8192xf32, #tpu.memory_space<vmem>> -> memref<4x8192xf32, #tpu.memory_space<vmem>>
      %parallel_loop3A_400 = arith.index_cast %parallel_loop3A_395 : i32 to index
      %parallel_loop3A_401 = arith.index_cast %parallel_loop3A_358 : i32 to index
      %parallel_loop3A_402 = tpu.vector_load %parallel_loop3A_399[%parallel_loop3A_400, %parallel_loop3A_401] {strides = array<i32>} : memref<4x8192xf32, #tpu.memory_space<vmem>>, vector<1x16xf32>,
      %parallel_loop3A_403 = vector.shape_cast %parallel_loop3A_402 : vector<1x16xf32> to vector<16xf32>
      %parallel_loop3A_404 = vector.shape_cast %parallel_loop3A_394 : vector<16xf32> to vector<1x16xf32>
      tpu.vector_store %parallel_loop3A_399[%parallel_loop3A_400, %parallel_loop3A_401], %parallel_loop3A_404 {strides = array<i32>} : memref<4x8192xf32, #tpu.memory_space<vmem>>, vector<1x16xf32>,
      %parallel_loop3A_405 = arith.constant 2 : i32
      %parallel_loop3A_406 = vector.broadcast %parallel_loop3A_405 : i32 to vector<16xi32>
      %parallel_loop3A_407 = arith.cmpi eq, %parallel_loop3A_364, %parallel_loop3A_406 : vector<16xi32>
      %parallel_loop3A_408 = arith.constant 1.000000e+00 : f32
      %parallel_loop3A_409 = vector.broadcast %parallel_loop3A_408 : f32 to vector<16xf32>
      %parallel_loop3A_410 = arith.select %parallel_loop3A_407, %parallel_loop3A_409, %parallel_loop3A_372 : vector<16xi1>, vector<16xf32>
      %parallel_loop3A_411 = arith.constant 2 : i32
      %parallel_loop3A_412 = arith.constant 0 : i32
      %parallel_loop3A_413 = arith.constant 0 : i32
      %parallel_loop3A_414 = tpu.memref_slice %arg5[%parallel_loop3A_174, %parallel_loop3A_412, %parallel_loop3A_413] : memref<2x4x8192xf32, #tpu.memory_space<vmem>> -> memref<1x4x8192xf32, #tpu.memory_space<vmem>>
      %parallel_loop3A_415 = tpu.memref_squeeze %parallel_loop3A_414 : memref<1x4x8192xf32, #tpu.memory_space<vmem>> -> memref<4x8192xf32, #tpu.memory_space<vmem>>
      %parallel_loop3A_416 = arith.index_cast %parallel_loop3A_411 : i32 to index
      %parallel_loop3A_417 = arith.index_cast %parallel_loop3A_358 : i32 to index
      %parallel_loop3A_418 = tpu.vector_load %parallel_loop3A_415[%parallel_loop3A_416, %parallel_loop3A_417] {strides = array<i32>} : memref<4x8192xf32, #tpu.memory_space<vmem>>, vector<1x16xf32>,
      %parallel_loop3A_419 = vector.shape_cast %parallel_loop3A_418 : vector<1x16xf32> to vector<16xf32>
      %parallel_loop3A_420 = vector.shape_cast %parallel_loop3A_410 : vector<16xf32> to vector<1x16xf32>
      tpu.vector_store %parallel_loop3A_415[%parallel_loop3A_416, %parallel_loop3A_417], %parallel_loop3A_420 {strides = array<i32>} : memref<4x8192xf32, #tpu.memory_space<vmem>>, vector<1x16xf32>,
      %parallel_loop3A_421 = arith.constant 3 : i32
      %parallel_loop3A_422 = vector.broadcast %parallel_loop3A_421 : i32 to vector<16xi32>
      %parallel_loop3A_423 = arith.cmpi eq, %parallel_loop3A_364, %parallel_loop3A_422 : vector<16xi32>
      %parallel_loop3A_424 = arith.constant 1.000000e+00 : f32
      %parallel_loop3A_425 = vector.broadcast %parallel_loop3A_424 : f32 to vector<16xf32>
      %parallel_loop3A_426 = arith.select %parallel_loop3A_423, %parallel_loop3A_425, %parallel_loop3A_372 : vector<16xi1>, vector<16xf32>
      %parallel_loop3A_427 = arith.constant 3 : i32
      %parallel_loop3A_428 = arith.constant 0 : i32
      %parallel_loop3A_429 = arith.constant 0 : i32
      %parallel_loop3A_430 = tpu.memref_slice %arg5[%parallel_loop3A_174, %parallel_loop3A_428, %parallel_loop3A_429] : memref<2x4x8192xf32, #tpu.memory_space<vmem>> -> memref<1x4x8192xf32, #tpu.memory_space<vmem>>
      %parallel_loop3A_431 = tpu.memref_squeeze %parallel_loop3A_430 : memref<1x4x8192xf32, #tpu.memory_space<vmem>> -> memref<4x8192xf32, #tpu.memory_space<vmem>>
      %parallel_loop3A_432 = arith.index_cast %parallel_loop3A_427 : i32 to index
      %parallel_loop3A_433 = arith.index_cast %parallel_loop3A_358 : i32 to index
      %parallel_loop3A_434 = tpu.vector_load %parallel_loop3A_431[%parallel_loop3A_432, %parallel_loop3A_433] {strides = array<i32>} : memref<4x8192xf32, #tpu.memory_space<vmem>>, vector<1x16xf32>,
      %parallel_loop3A_435 = vector.shape_cast %parallel_loop3A_434 : vector<1x16xf32> to vector<16xf32>
      %parallel_loop3A_436 = vector.shape_cast %parallel_loop3A_426 : vector<16xf32> to vector<1x16xf32>
      tpu.vector_store %parallel_loop3A_431[%parallel_loop3A_432, %parallel_loop3A_433], %parallel_loop3A_436 {strides = array<i32>} : memref<4x8192xf32, #tpu.memory_space<vmem>>, vector<1x16xf32>,
    } {sc.loop_unroll_factor = 2 : i64, sc.parallel_access}
    %add3A_175 = arith.constant 16384 : i32
    %add3A_176 = arith.addi %mul3A_2, %add3A_175 : i32
    %add3A_177 = arith.constant 0 : i32
    %add3A_178 = arith.addi %add3A_176, %add3A_177 : i32
    %dma_start3A_179 = arith.constant 0 : i32
    %dma_start3A_180 = arith.constant 0 : i32
    %dma_start3A_181 = arith.constant 0 : i32
    %dma_start3A_182 = tpu.memref_slice %arg5[%dma_start3A_179, %dma_start3A_180, %dma_start3A_181] : memref<2x4x8192xf32, #tpu.memory_space<vmem>> -> memref<1x4x4096xf32, #tpu.memory_space<vmem>>
    %dma_start3A_183 = tpu.memref_squeeze %dma_start3A_182 : memref<1x4x4096xf32, #tpu.memory_space<vmem>> -> memref<4x4096xf32, #tpu.memory_space<vmem>>
    %dma_start3A_184 = arith.constant 0 : i32
    %dma_start3A_185 = tpu.memref_slice %arg3[%dma_start3A_184, %add3A_178] : memref<4x1048576xf32, #tpu.memory_space<hbm>> -> memref<4x4096xf32, #tpu.memory_space<hbm>>
    %dma_start3A_186 = arith.constant 0 : i32
    %dma_start3A_187 = tpu.memref_slice %arg3[%dma_start3A_186, %add3A_178] : memref<4x1048576xf32, #tpu.memory_space<hbm>> -> memref<4x4096xf32, #tpu.memory_space<hbm>>
    %dma_start3A_188 = arith.constant 0 : i32
    %dma_start3A_189 = arith.constant 0 : i32
    %dma_start3A_190 = tpu.memref_slice %arg5[%dma_start3A_179, %dma_start3A_188, %dma_start3A_189] : memref<2x4x8192xf32, #tpu.memory_space<vmem>> -> memref<1x4x4096xf32, #tpu.memory_space<vmem>>
    %dma_start3A_191 = tpu.memref_squeeze %dma_start3A_190 : memref<1x4x4096xf32, #tpu.memory_space<vmem>> -> memref<4x4096xf32, #tpu.memory_space<vmem>>
    tpu.enqueue_dma source(%dma_start3A_191 : memref<4x4096xf32, #tpu.memory_space<vmem>>) target(%dma_start3A_187 : memref<4x4096xf32, #tpu.memory_space<hbm>>) target_semaphore(%arg8 : memref<!tpu.dma_semaphore, #tpu.memory_space<semaphore_mem>>)
    %dma_wait3A_192 = arith.constant 0 : i32
    %dma_wait3A_193 = arith.constant 0 : i32
    %dma_wait3A_194 = arith.constant 4096 : i32
    %dma_wait3A_195 = tpu.memref_slice %arg5[%dma_wait3A_192, %dma_wait3A_193, %dma_wait3A_194] : memref<2x4x8192xf32, #tpu.memory_space<vmem>> -> memref<1x4x4096xf32, #tpu.memory_space<vmem>>
    %dma_wait3A_196 = tpu.memref_squeeze %dma_wait3A_195 : memref<1x4x4096xf32, #tpu.memory_space<vmem>> -> memref<4x4096xf32, #tpu.memory_space<vmem>>
    %dma_wait3A_197 = arith.constant 0 : i32
    %dma_wait3A_198 = tpu.memref_slice %arg3[%dma_wait3A_197, %add3A_59] : memref<4x1048576xf32, #tpu.memory_space<hbm>> -> memref<4x4096xf32, #tpu.memory_space<hbm>>
    %dma_wait3A_199 = arith.constant 0 : i32
    %dma_wait3A_200 = tpu.memref_slice %arg3[%dma_wait3A_199, %add3A_59] : memref<4x1048576xf32, #tpu.memory_space<hbm>> -> memref<4x4096xf32, #tpu.memory_space<hbm>>
    %dma_wait3A_201 = arith.constant 0 : i32
    %dma_wait3A_202 = arith.constant 4096 : i32
    %dma_wait3A_203 = tpu.memref_slice %arg5[%dma_wait3A_192, %dma_wait3A_201, %dma_wait3A_202] : memref<2x4x8192xf32, #tpu.memory_space<vmem>> -> memref<1x4x4096xf32, #tpu.memory_space<vmem>>
    %dma_wait3A_204 = tpu.memref_squeeze %dma_wait3A_203 : memref<1x4x4096xf32, #tpu.memory_space<vmem>> -> memref<4x4096xf32, #tpu.memory_space<vmem>>
    tpu.wait_dma2 semaphore(%arg9 : memref<!tpu.dma_semaphore, #tpu.memory_space<semaphore_mem>>) src(%dma_wait3A_204 : memref<4x4096xf32, #tpu.memory_space<vmem>>) dst(%dma_wait3A_200 : memref<4x4096xf32, #tpu.memory_space<hbm>>)
    %parallel_loop3A_205 = arith.constant 4096 : i32
    %parallel_loop3A_206 = arith.constant 8192 : i32
    %parallel_loop3A_207 = arith.constant 16 : i32
    %parallel_loop3A_208 = arith.constant 0 : i32
    %parallel_loop3A_209 = arith.constant 0 : i32
    scf.for %parallel_loop3A_358 = %parallel_loop3A_205 to %parallel_loop3A_206 step %parallel_loop3A_207  : i32 {
      %parallel_loop3A_359 = arith.constant 0 : i32
      %parallel_loop3A_360 = tpu.memref_slice %arg4[%parallel_loop3A_208, %parallel_loop3A_359] : memref<2x8192xi32, #tpu.memory_space<vmem>> -> memref<1x8192xi32, #tpu.memory_space<vmem>>
      %parallel_loop3A_361 = tpu.memref_squeeze %parallel_loop3A_360 : memref<1x8192xi32, #tpu.memory_space<vmem>> -> memref<8192xi32, #tpu.memory_space<vmem>>
      %parallel_loop3A_362 = arith.index_cast %parallel_loop3A_358 : i32 to index
      %parallel_loop3A_363 = tpu.vector_load %parallel_loop3A_361[%parallel_loop3A_362] {strides = array<i32>} : memref<8192xi32, #tpu.memory_space<vmem>>, vector<16xi32>,
      %parallel_loop3A_364 = vector.shape_cast %parallel_loop3A_363 : vector<16xi32> to vector<16xi32>
      %parallel_loop3A_365 = arith.constant 4 : i32
      %parallel_loop3A_366 = vector.broadcast %parallel_loop3A_365 : i32 to vector<16xi32>
      %parallel_loop3A_367 = arith.cmpi eq, %parallel_loop3A_364, %parallel_loop3A_366 : vector<16xi32>
      %parallel_loop3A_368 = arith.constant 2.500000e-01 : f32
      %parallel_loop3A_369 = arith.constant 0.000000e+00 : f32
      %parallel_loop3A_370 = vector.broadcast %parallel_loop3A_368 : f32 to vector<16xf32>
      %parallel_loop3A_371 = vector.broadcast %parallel_loop3A_369 : f32 to vector<16xf32>
      %parallel_loop3A_372 = arith.select %parallel_loop3A_367, %parallel_loop3A_370, %parallel_loop3A_371 : vector<16xi1>, vector<16xf32>
      %parallel_loop3A_373 = arith.constant 0 : i32
      %parallel_loop3A_374 = vector.broadcast %parallel_loop3A_373 : i32 to vector<16xi32>
      %parallel_loop3A_375 = arith.cmpi eq, %parallel_loop3A_364, %parallel_loop3A_374 : vector<16xi32>
      %parallel_loop3A_376 = arith.constant 1.000000e+00 : f32
      %parallel_loop3A_377 = vector.broadcast %parallel_loop3A_376 : f32 to vector<16xf32>
      %parallel_loop3A_378 = arith.select %parallel_loop3A_375, %parallel_loop3A_377, %parallel_loop3A_372 : vector<16xi1>, vector<16xf32>
      %parallel_loop3A_379 = arith.constant 0 : i32
      %parallel_loop3A_380 = arith.constant 0 : i32
      %parallel_loop3A_381 = arith.constant 0 : i32
      %parallel_loop3A_382 = tpu.memref_slice %arg5[%parallel_loop3A_209, %parallel_loop3A_380, %parallel_loop3A_381] : memref<2x4x8192xf32, #tpu.memory_space<vmem>> -> memref<1x4x8192xf32, #tpu.memory_space<vmem>>
      %parallel_loop3A_383 = tpu.memref_squeeze %parallel_loop3A_382 : memref<1x4x8192xf32, #tpu.memory_space<vmem>> -> memref<4x8192xf32, #tpu.memory_space<vmem>>
      %parallel_loop3A_384 = arith.index_cast %parallel_loop3A_379 : i32 to index
      %parallel_loop3A_385 = arith.index_cast %parallel_loop3A_358 : i32 to index
      %parallel_loop3A_386 = tpu.vector_load %parallel_loop3A_383[%parallel_loop3A_384, %parallel_loop3A_385] {strides = array<i32>} : memref<4x8192xf32, #tpu.memory_space<vmem>>, vector<1x16xf32>,
      %parallel_loop3A_387 = vector.shape_cast %parallel_loop3A_386 : vector<1x16xf32> to vector<16xf32>
      %parallel_loop3A_388 = vector.shape_cast %parallel_loop3A_378 : vector<16xf32> to vector<1x16xf32>
      tpu.vector_store %parallel_loop3A_383[%parallel_loop3A_384, %parallel_loop3A_385], %parallel_loop3A_388 {strides = array<i32>} : memref<4x8192xf32, #tpu.memory_space<vmem>>, vector<1x16xf32>,
      %parallel_loop3A_389 = arith.constant 1 : i32
      %parallel_loop3A_390 = vector.broadcast %parallel_loop3A_389 : i32 to vector<16xi32>
      %parallel_loop3A_391 = arith.cmpi eq, %parallel_loop3A_364, %parallel_loop3A_390 : vector<16xi32>
      %parallel_loop3A_392 = arith.constant 1.000000e+00 : f32
      %parallel_loop3A_393 = vector.broadcast %parallel_loop3A_392 : f32 to vector<16xf32>
      %parallel_loop3A_394 = arith.select %parallel_loop3A_391, %parallel_loop3A_393, %parallel_loop3A_372 : vector<16xi1>, vector<16xf32>
      %parallel_loop3A_395 = arith.constant 1 : i32
      %parallel_loop3A_396 = arith.constant 0 : i32
      %parallel_loop3A_397 = arith.constant 0 : i32
      %parallel_loop3A_398 = tpu.memref_slice %arg5[%parallel_loop3A_209, %parallel_loop3A_396, %parallel_loop3A_397] : memref<2x4x8192xf32, #tpu.memory_space<vmem>> -> memref<1x4x8192xf32, #tpu.memory_space<vmem>>
      %parallel_loop3A_399 = tpu.memref_squeeze %parallel_loop3A_398 : memref<1x4x8192xf32, #tpu.memory_space<vmem>> -> memref<4x8192xf32, #tpu.memory_space<vmem>>
      %parallel_loop3A_400 = arith.index_cast %parallel_loop3A_395 : i32 to index
      %parallel_loop3A_401 = arith.index_cast %parallel_loop3A_358 : i32 to index
      %parallel_loop3A_402 = tpu.vector_load %parallel_loop3A_399[%parallel_loop3A_400, %parallel_loop3A_401] {strides = array<i32>} : memref<4x8192xf32, #tpu.memory_space<vmem>>, vector<1x16xf32>,
      %parallel_loop3A_403 = vector.shape_cast %parallel_loop3A_402 : vector<1x16xf32> to vector<16xf32>
      %parallel_loop3A_404 = vector.shape_cast %parallel_loop3A_394 : vector<16xf32> to vector<1x16xf32>
      tpu.vector_store %parallel_loop3A_399[%parallel_loop3A_400, %parallel_loop3A_401], %parallel_loop3A_404 {strides = array<i32>} : memref<4x8192xf32, #tpu.memory_space<vmem>>, vector<1x16xf32>,
      %parallel_loop3A_405 = arith.constant 2 : i32
      %parallel_loop3A_406 = vector.broadcast %parallel_loop3A_405 : i32 to vector<16xi32>
      %parallel_loop3A_407 = arith.cmpi eq, %parallel_loop3A_364, %parallel_loop3A_406 : vector<16xi32>
      %parallel_loop3A_408 = arith.constant 1.000000e+00 : f32
      %parallel_loop3A_409 = vector.broadcast %parallel_loop3A_408 : f32 to vector<16xf32>
      %parallel_loop3A_410 = arith.select %parallel_loop3A_407, %parallel_loop3A_409, %parallel_loop3A_372 : vector<16xi1>, vector<16xf32>
      %parallel_loop3A_411 = arith.constant 2 : i32
      %parallel_loop3A_412 = arith.constant 0 : i32
      %parallel_loop3A_413 = arith.constant 0 : i32
      %parallel_loop3A_414 = tpu.memref_slice %arg5[%parallel_loop3A_209, %parallel_loop3A_412, %parallel_loop3A_413] : memref<2x4x8192xf32, #tpu.memory_space<vmem>> -> memref<1x4x8192xf32, #tpu.memory_space<vmem>>
      %parallel_loop3A_415 = tpu.memref_squeeze %parallel_loop3A_414 : memref<1x4x8192xf32, #tpu.memory_space<vmem>> -> memref<4x8192xf32, #tpu.memory_space<vmem>>
      %parallel_loop3A_416 = arith.index_cast %parallel_loop3A_411 : i32 to index
      %parallel_loop3A_417 = arith.index_cast %parallel_loop3A_358 : i32 to index
      %parallel_loop3A_418 = tpu.vector_load %parallel_loop3A_415[%parallel_loop3A_416, %parallel_loop3A_417] {strides = array<i32>} : memref<4x8192xf32, #tpu.memory_space<vmem>>, vector<1x16xf32>,
      %parallel_loop3A_419 = vector.shape_cast %parallel_loop3A_418 : vector<1x16xf32> to vector<16xf32>
      %parallel_loop3A_420 = vector.shape_cast %parallel_loop3A_410 : vector<16xf32> to vector<1x16xf32>
      tpu.vector_store %parallel_loop3A_415[%parallel_loop3A_416, %parallel_loop3A_417], %parallel_loop3A_420 {strides = array<i32>} : memref<4x8192xf32, #tpu.memory_space<vmem>>, vector<1x16xf32>,
      %parallel_loop3A_421 = arith.constant 3 : i32
      %parallel_loop3A_422 = vector.broadcast %parallel_loop3A_421 : i32 to vector<16xi32>
      %parallel_loop3A_423 = arith.cmpi eq, %parallel_loop3A_364, %parallel_loop3A_422 : vector<16xi32>
      %parallel_loop3A_424 = arith.constant 1.000000e+00 : f32
      %parallel_loop3A_425 = vector.broadcast %parallel_loop3A_424 : f32 to vector<16xf32>
      %parallel_loop3A_426 = arith.select %parallel_loop3A_423, %parallel_loop3A_425, %parallel_loop3A_372 : vector<16xi1>, vector<16xf32>
      %parallel_loop3A_427 = arith.constant 3 : i32
      %parallel_loop3A_428 = arith.constant 0 : i32
      %parallel_loop3A_429 = arith.constant 0 : i32
      %parallel_loop3A_430 = tpu.memref_slice %arg5[%parallel_loop3A_209, %parallel_loop3A_428, %parallel_loop3A_429] : memref<2x4x8192xf32, #tpu.memory_space<vmem>> -> memref<1x4x8192xf32, #tpu.memory_space<vmem>>
      %parallel_loop3A_431 = tpu.memref_squeeze %parallel_loop3A_430 : memref<1x4x8192xf32, #tpu.memory_space<vmem>> -> memref<4x8192xf32, #tpu.memory_space<vmem>>
      %parallel_loop3A_432 = arith.index_cast %parallel_loop3A_427 : i32 to index
      %parallel_loop3A_433 = arith.index_cast %parallel_loop3A_358 : i32 to index
      %parallel_loop3A_434 = tpu.vector_load %parallel_loop3A_431[%parallel_loop3A_432, %parallel_loop3A_433] {strides = array<i32>} : memref<4x8192xf32, #tpu.memory_space<vmem>>, vector<1x16xf32>,
      %parallel_loop3A_435 = vector.shape_cast %parallel_loop3A_434 : vector<1x16xf32> to vector<16xf32>
      %parallel_loop3A_436 = vector.shape_cast %parallel_loop3A_426 : vector<16xf32> to vector<1x16xf32>
      tpu.vector_store %parallel_loop3A_431[%parallel_loop3A_432, %parallel_loop3A_433], %parallel_loop3A_436 {strides = array<i32>} : memref<4x8192xf32, #tpu.memory_space<vmem>>, vector<1x16xf32>,
    } {sc.loop_unroll_factor = 2 : i64, sc.parallel_access}
    %add3A_210 = arith.constant 16384 : i32
    %add3A_211 = arith.addi %mul3A_2, %add3A_210 : i32
    %add3A_212 = arith.constant 4096 : i32
    %add3A_213 = arith.addi %add3A_211, %add3A_212 : i32
    %dma_start3A_214 = arith.constant 0 : i32
    %dma_start3A_215 = arith.constant 0 : i32
    %dma_start3A_216 = arith.constant 4096 : i32
    %dma_start3A_217 = tpu.memref_slice %arg5[%dma_start3A_214, %dma_start3A_215, %dma_start3A_216] : memref<2x4x8192xf32, #tpu.memory_space<vmem>> -> memref<1x4x4096xf32, #tpu.memory_space<vmem>>
    %dma_start3A_218 = tpu.memref_squeeze %dma_start3A_217 : memref<1x4x4096xf32, #tpu.memory_space<vmem>> -> memref<4x4096xf32, #tpu.memory_space<vmem>>
    %dma_start3A_219 = arith.constant 0 : i32
    %dma_start3A_220 = tpu.memref_slice %arg3[%dma_start3A_219, %add3A_213] : memref<4x1048576xf32, #tpu.memory_space<hbm>> -> memref<4x4096xf32, #tpu.memory_space<hbm>>
    %dma_start3A_221 = arith.constant 0 : i32
    %dma_start3A_222 = tpu.memref_slice %arg3[%dma_start3A_221, %add3A_213] : memref<4x1048576xf32, #tpu.memory_space<hbm>> -> memref<4x4096xf32, #tpu.memory_space<hbm>>
    %dma_start3A_223 = arith.constant 0 : i32
    %dma_start3A_224 = arith.constant 4096 : i32
    %dma_start3A_225 = tpu.memref_slice %arg5[%dma_start3A_214, %dma_start3A_223, %dma_start3A_224] : memref<2x4x8192xf32, #tpu.memory_space<vmem>> -> memref<1x4x4096xf32, #tpu.memory_space<vmem>>
    %dma_start3A_226 = tpu.memref_squeeze %dma_start3A_225 : memref<1x4x4096xf32, #tpu.memory_space<vmem>> -> memref<4x4096xf32, #tpu.memory_space<vmem>>
    tpu.enqueue_dma source(%dma_start3A_226 : memref<4x4096xf32, #tpu.memory_space<vmem>>) target(%dma_start3A_222 : memref<4x4096xf32, #tpu.memory_space<hbm>>) target_semaphore(%arg9 : memref<!tpu.dma_semaphore, #tpu.memory_space<semaphore_mem>>)
    %dma_wait3A_227 = arith.constant 1 : i32
    %dma_wait3A_228 = arith.constant 0 : i32
    %dma_wait3A_229 = tpu.memref_slice %arg4[%dma_wait3A_227, %dma_wait3A_228] : memref<2x8192xi32, #tpu.memory_space<vmem>> -> memref<1x8192xi32, #tpu.memory_space<vmem>>
    %dma_wait3A_230 = tpu.memref_squeeze %dma_wait3A_229 : memref<1x8192xi32, #tpu.memory_space<vmem>> -> memref<8192xi32, #tpu.memory_space<vmem>>
    %dma_wait3A_231 = tpu.memref_slice %arg2[%add3A_138] : memref<1048576xi32, #tpu.memory_space<hbm>> -> memref<8192xi32, #tpu.memory_space<hbm>>
    %dma_wait3A_232 = arith.constant 0 : i32
    %dma_wait3A_233 = tpu.memref_slice %arg4[%dma_wait3A_227, %dma_wait3A_232] : memref<2x8192xi32, #tpu.memory_space<vmem>> -> memref<1x8192xi32, #tpu.memory_space<vmem>>
    %dma_wait3A_234 = tpu.memref_squeeze %dma_wait3A_233 : memref<1x8192xi32, #tpu.memory_space<vmem>> -> memref<8192xi32, #tpu.memory_space<vmem>>
    %dma_wait3A_235 = tpu.memref_slice %arg2[%add3A_138] : memref<1048576xi32, #tpu.memory_space<hbm>> -> memref<8192xi32, #tpu.memory_space<hbm>>
    tpu.wait_dma2 semaphore(%arg7 : memref<!tpu.dma_semaphore, #tpu.memory_space<semaphore_mem>>) src(%dma_wait3A_235 : memref<8192xi32, #tpu.memory_space<hbm>>) dst(%dma_wait3A_234 : memref<8192xi32, #tpu.memory_space<vmem>>)
    %dma_wait3A_236 = arith.constant 1 : i32
    %dma_wait3A_237 = arith.constant 0 : i32
    %dma_wait3A_238 = arith.constant 0 : i32
    %dma_wait3A_239 = tpu.memref_slice %arg5[%dma_wait3A_236, %dma_wait3A_237, %dma_wait3A_238] : memref<2x4x8192xf32, #tpu.memory_space<vmem>> -> memref<1x4x4096xf32, #tpu.memory_space<vmem>>
    %dma_wait3A_240 = tpu.memref_squeeze %dma_wait3A_239 : memref<1x4x4096xf32, #tpu.memory_space<vmem>> -> memref<4x4096xf32, #tpu.memory_space<vmem>>
    %dma_wait3A_241 = arith.constant 0 : i32
    %dma_wait3A_242 = tpu.memref_slice %arg3[%dma_wait3A_241, %add3A_101] : memref<4x1048576xf32, #tpu.memory_space<hbm>> -> memref<4x4096xf32, #tpu.memory_space<hbm>>
    %dma_wait3A_243 = arith.constant 0 : i32
    %dma_wait3A_244 = tpu.memref_slice %arg3[%dma_wait3A_243, %add3A_101] : memref<4x1048576xf32, #tpu.memory_space<hbm>> -> memref<4x4096xf32, #tpu.memory_space<hbm>>
    %dma_wait3A_245 = arith.constant 0 : i32
    %dma_wait3A_246 = arith.constant 0 : i32
    %dma_wait3A_247 = tpu.memref_slice %arg5[%dma_wait3A_236, %dma_wait3A_245, %dma_wait3A_246] : memref<2x4x8192xf32, #tpu.memory_space<vmem>> -> memref<1x4x4096xf32, #tpu.memory_space<vmem>>
    %dma_wait3A_248 = tpu.memref_squeeze %dma_wait3A_247 : memref<1x4x4096xf32, #tpu.memory_space<vmem>> -> memref<4x4096xf32, #tpu.memory_space<vmem>>
    tpu.wait_dma2 semaphore(%arg10 : memref<!tpu.dma_semaphore, #tpu.memory_space<semaphore_mem>>) src(%dma_wait3A_248 : memref<4x4096xf32, #tpu.memory_space<vmem>>) dst(%dma_wait3A_244 : memref<4x4096xf32, #tpu.memory_space<hbm>>)
    %parallel_loop3A_249 = arith.constant 0 : i32
    %parallel_loop3A_250 = arith.constant 4096 : i32
    %parallel_loop3A_251 = arith.constant 16 : i32
    %parallel_loop3A_252 = arith.constant 1 : i32
    %parallel_loop3A_253 = arith.constant 1 : i32
    scf.for %parallel_loop3A_358 = %parallel_loop3A_249 to %parallel_loop3A_250 step %parallel_loop3A_251  : i32 {
      %parallel_loop3A_359 = arith.constant 0 : i32
      %parallel_loop3A_360 = tpu.memref_slice %arg4[%parallel_loop3A_252, %parallel_loop3A_359] : memref<2x8192xi32, #tpu.memory_space<vmem>> -> memref<1x8192xi32, #tpu.memory_space<vmem>>
      %parallel_loop3A_361 = tpu.memref_squeeze %parallel_loop3A_360 : memref<1x8192xi32, #tpu.memory_space<vmem>> -> memref<8192xi32, #tpu.memory_space<vmem>>
      %parallel_loop3A_362 = arith.index_cast %parallel_loop3A_358 : i32 to index
      %parallel_loop3A_363 = tpu.vector_load %parallel_loop3A_361[%parallel_loop3A_362] {strides = array<i32>} : memref<8192xi32, #tpu.memory_space<vmem>>, vector<16xi32>,
      %parallel_loop3A_364 = vector.shape_cast %parallel_loop3A_363 : vector<16xi32> to vector<16xi32>
      %parallel_loop3A_365 = arith.constant 4 : i32
      %parallel_loop3A_366 = vector.broadcast %parallel_loop3A_365 : i32 to vector<16xi32>
      %parallel_loop3A_367 = arith.cmpi eq, %parallel_loop3A_364, %parallel_loop3A_366 : vector<16xi32>
      %parallel_loop3A_368 = arith.constant 2.500000e-01 : f32
      %parallel_loop3A_369 = arith.constant 0.000000e+00 : f32
      %parallel_loop3A_370 = vector.broadcast %parallel_loop3A_368 : f32 to vector<16xf32>
      %parallel_loop3A_371 = vector.broadcast %parallel_loop3A_369 : f32 to vector<16xf32>
      %parallel_loop3A_372 = arith.select %parallel_loop3A_367, %parallel_loop3A_370, %parallel_loop3A_371 : vector<16xi1>, vector<16xf32>
      %parallel_loop3A_373 = arith.constant 0 : i32
      %parallel_loop3A_374 = vector.broadcast %parallel_loop3A_373 : i32 to vector<16xi32>
      %parallel_loop3A_375 = arith.cmpi eq, %parallel_loop3A_364, %parallel_loop3A_374 : vector<16xi32>
      %parallel_loop3A_376 = arith.constant 1.000000e+00 : f32
      %parallel_loop3A_377 = vector.broadcast %parallel_loop3A_376 : f32 to vector<16xf32>
      %parallel_loop3A_378 = arith.select %parallel_loop3A_375, %parallel_loop3A_377, %parallel_loop3A_372 : vector<16xi1>, vector<16xf32>
      %parallel_loop3A_379 = arith.constant 0 : i32
      %parallel_loop3A_380 = arith.constant 0 : i32
      %parallel_loop3A_381 = arith.constant 0 : i32
      %parallel_loop3A_382 = tpu.memref_slice %arg5[%parallel_loop3A_253, %parallel_loop3A_380, %parallel_loop3A_381] : memref<2x4x8192xf32, #tpu.memory_space<vmem>> -> memref<1x4x8192xf32, #tpu.memory_space<vmem>>
      %parallel_loop3A_383 = tpu.memref_squeeze %parallel_loop3A_382 : memref<1x4x8192xf32, #tpu.memory_space<vmem>> -> memref<4x8192xf32, #tpu.memory_space<vmem>>
      %parallel_loop3A_384 = arith.index_cast %parallel_loop3A_379 : i32 to index
      %parallel_loop3A_385 = arith.index_cast %parallel_loop3A_358 : i32 to index
      %parallel_loop3A_386 = tpu.vector_load %parallel_loop3A_383[%parallel_loop3A_384, %parallel_loop3A_385] {strides = array<i32>} : memref<4x8192xf32, #tpu.memory_space<vmem>>, vector<1x16xf32>,
      %parallel_loop3A_387 = vector.shape_cast %parallel_loop3A_386 : vector<1x16xf32> to vector<16xf32>
      %parallel_loop3A_388 = vector.shape_cast %parallel_loop3A_378 : vector<16xf32> to vector<1x16xf32>
      tpu.vector_store %parallel_loop3A_383[%parallel_loop3A_384, %parallel_loop3A_385], %parallel_loop3A_388 {strides = array<i32>} : memref<4x8192xf32, #tpu.memory_space<vmem>>, vector<1x16xf32>,
      %parallel_loop3A_389 = arith.constant 1 : i32
      %parallel_loop3A_390 = vector.broadcast %parallel_loop3A_389 : i32 to vector<16xi32>
      %parallel_loop3A_391 = arith.cmpi eq, %parallel_loop3A_364, %parallel_loop3A_390 : vector<16xi32>
      %parallel_loop3A_392 = arith.constant 1.000000e+00 : f32
      %parallel_loop3A_393 = vector.broadcast %parallel_loop3A_392 : f32 to vector<16xf32>
      %parallel_loop3A_394 = arith.select %parallel_loop3A_391, %parallel_loop3A_393, %parallel_loop3A_372 : vector<16xi1>, vector<16xf32>
      %parallel_loop3A_395 = arith.constant 1 : i32
      %parallel_loop3A_396 = arith.constant 0 : i32
      %parallel_loop3A_397 = arith.constant 0 : i32
      %parallel_loop3A_398 = tpu.memref_slice %arg5[%parallel_loop3A_253, %parallel_loop3A_396, %parallel_loop3A_397] : memref<2x4x8192xf32, #tpu.memory_space<vmem>> -> memref<1x4x8192xf32, #tpu.memory_space<vmem>>
      %parallel_loop3A_399 = tpu.memref_squeeze %parallel_loop3A_398 : memref<1x4x8192xf32, #tpu.memory_space<vmem>> -> memref<4x8192xf32, #tpu.memory_space<vmem>>
      %parallel_loop3A_400 = arith.index_cast %parallel_loop3A_395 : i32 to index
      %parallel_loop3A_401 = arith.index_cast %parallel_loop3A_358 : i32 to index
      %parallel_loop3A_402 = tpu.vector_load %parallel_loop3A_399[%parallel_loop3A_400, %parallel_loop3A_401] {strides = array<i32>} : memref<4x8192xf32, #tpu.memory_space<vmem>>, vector<1x16xf32>,
      %parallel_loop3A_403 = vector.shape_cast %parallel_loop3A_402 : vector<1x16xf32> to vector<16xf32>
      %parallel_loop3A_404 = vector.shape_cast %parallel_loop3A_394 : vector<16xf32> to vector<1x16xf32>
      tpu.vector_store %parallel_loop3A_399[%parallel_loop3A_400, %parallel_loop3A_401], %parallel_loop3A_404 {strides = array<i32>} : memref<4x8192xf32, #tpu.memory_space<vmem>>, vector<1x16xf32>,
      %parallel_loop3A_405 = arith.constant 2 : i32
      %parallel_loop3A_406 = vector.broadcast %parallel_loop3A_405 : i32 to vector<16xi32>
      %parallel_loop3A_407 = arith.cmpi eq, %parallel_loop3A_364, %parallel_loop3A_406 : vector<16xi32>
      %parallel_loop3A_408 = arith.constant 1.000000e+00 : f32
      %parallel_loop3A_409 = vector.broadcast %parallel_loop3A_408 : f32 to vector<16xf32>
      %parallel_loop3A_410 = arith.select %parallel_loop3A_407, %parallel_loop3A_409, %parallel_loop3A_372 : vector<16xi1>, vector<16xf32>
      %parallel_loop3A_411 = arith.constant 2 : i32
      %parallel_loop3A_412 = arith.constant 0 : i32
      %parallel_loop3A_413 = arith.constant 0 : i32
      %parallel_loop3A_414 = tpu.memref_slice %arg5[%parallel_loop3A_253, %parallel_loop3A_412, %parallel_loop3A_413] : memref<2x4x8192xf32, #tpu.memory_space<vmem>> -> memref<1x4x8192xf32, #tpu.memory_space<vmem>>
      %parallel_loop3A_415 = tpu.memref_squeeze %parallel_loop3A_414 : memref<1x4x8192xf32, #tpu.memory_space<vmem>> -> memref<4x8192xf32, #tpu.memory_space<vmem>>
      %parallel_loop3A_416 = arith.index_cast %parallel_loop3A_411 : i32 to index
      %parallel_loop3A_417 = arith.index_cast %parallel_loop3A_358 : i32 to index
      %parallel_loop3A_418 = tpu.vector_load %parallel_loop3A_415[%parallel_loop3A_416, %parallel_loop3A_417] {strides = array<i32>} : memref<4x8192xf32, #tpu.memory_space<vmem>>, vector<1x16xf32>,
      %parallel_loop3A_419 = vector.shape_cast %parallel_loop3A_418 : vector<1x16xf32> to vector<16xf32>
      %parallel_loop3A_420 = vector.shape_cast %parallel_loop3A_410 : vector<16xf32> to vector<1x16xf32>
      tpu.vector_store %parallel_loop3A_415[%parallel_loop3A_416, %parallel_loop3A_417], %parallel_loop3A_420 {strides = array<i32>} : memref<4x8192xf32, #tpu.memory_space<vmem>>, vector<1x16xf32>,
      %parallel_loop3A_421 = arith.constant 3 : i32
      %parallel_loop3A_422 = vector.broadcast %parallel_loop3A_421 : i32 to vector<16xi32>
      %parallel_loop3A_423 = arith.cmpi eq, %parallel_loop3A_364, %parallel_loop3A_422 : vector<16xi32>
      %parallel_loop3A_424 = arith.constant 1.000000e+00 : f32
      %parallel_loop3A_425 = vector.broadcast %parallel_loop3A_424 : f32 to vector<16xf32>
      %parallel_loop3A_426 = arith.select %parallel_loop3A_423, %parallel_loop3A_425, %parallel_loop3A_372 : vector<16xi1>, vector<16xf32>
      %parallel_loop3A_427 = arith.constant 3 : i32
      %parallel_loop3A_428 = arith.constant 0 : i32
      %parallel_loop3A_429 = arith.constant 0 : i32
      %parallel_loop3A_430 = tpu.memref_slice %arg5[%parallel_loop3A_253, %parallel_loop3A_428, %parallel_loop3A_429] : memref<2x4x8192xf32, #tpu.memory_space<vmem>> -> memref<1x4x8192xf32, #tpu.memory_space<vmem>>
      %parallel_loop3A_431 = tpu.memref_squeeze %parallel_loop3A_430 : memref<1x4x8192xf32, #tpu.memory_space<vmem>> -> memref<4x8192xf32, #tpu.memory_space<vmem>>
      %parallel_loop3A_432 = arith.index_cast %parallel_loop3A_427 : i32 to index
      %parallel_loop3A_433 = arith.index_cast %parallel_loop3A_358 : i32 to index
      %parallel_loop3A_434 = tpu.vector_load %parallel_loop3A_431[%parallel_loop3A_432, %parallel_loop3A_433] {strides = array<i32>} : memref<4x8192xf32, #tpu.memory_space<vmem>>, vector<1x16xf32>,
      %parallel_loop3A_435 = vector.shape_cast %parallel_loop3A_434 : vector<1x16xf32> to vector<16xf32>
      %parallel_loop3A_436 = vector.shape_cast %parallel_loop3A_426 : vector<16xf32> to vector<1x16xf32>
      tpu.vector_store %parallel_loop3A_431[%parallel_loop3A_432, %parallel_loop3A_433], %parallel_loop3A_436 {strides = array<i32>} : memref<4x8192xf32, #tpu.memory_space<vmem>>, vector<1x16xf32>,
    } {sc.loop_unroll_factor = 2 : i64, sc.parallel_access}
    %add3A_254 = arith.constant 24576 : i32
    %add3A_255 = arith.addi %mul3A_2, %add3A_254 : i32
    %add3A_256 = arith.constant 0 : i32
    %add3A_257 = arith.addi %add3A_255, %add3A_256 : i32
    %dma_start3A_258 = arith.constant 1 : i32
    %dma_start3A_259 = arith.constant 0 : i32
    %dma_start3A_260 = arith.constant 0 : i32
    %dma_start3A_261 = tpu.memref_slice %arg5[%dma_start3A_258, %dma_start3A_259, %dma_start3A_260] : memref<2x4x8192xf32, #tpu.memory_space<vmem>> -> memref<1x4x4096xf32, #tpu.memory_space<vmem>>
    %dma_start3A_262 = tpu.memref_squeeze %dma_start3A_261 : memref<1x4x4096xf32, #tpu.memory_space<vmem>> -> memref<4x4096xf32, #tpu.memory_space<vmem>>
    %dma_start3A_263 = arith.constant 0 : i32
    %dma_start3A_264 = tpu.memref_slice %arg3[%dma_start3A_263, %add3A_257] : memref<4x1048576xf32, #tpu.memory_space<hbm>> -> memref<4x4096xf32, #tpu.memory_space<hbm>>
    %dma_start3A_265 = arith.constant 0 : i32
    %dma_start3A_266 = tpu.memref_slice %arg3[%dma_start3A_265, %add3A_257] : memref<4x1048576xf32, #tpu.memory_space<hbm>> -> memref<4x4096xf32, #tpu.memory_space<hbm>>
    %dma_start3A_267 = arith.constant 0 : i32
    %dma_start3A_268 = arith.constant 0 : i32
    %dma_start3A_269 = tpu.memref_slice %arg5[%dma_start3A_258, %dma_start3A_267, %dma_start3A_268] : memref<2x4x8192xf32, #tpu.memory_space<vmem>> -> memref<1x4x4096xf32, #tpu.memory_space<vmem>>
    %dma_start3A_270 = tpu.memref_squeeze %dma_start3A_269 : memref<1x4x4096xf32, #tpu.memory_space<vmem>> -> memref<4x4096xf32, #tpu.memory_space<vmem>>
    tpu.enqueue_dma source(%dma_start3A_270 : memref<4x4096xf32, #tpu.memory_space<vmem>>) target(%dma_start3A_266 : memref<4x4096xf32, #tpu.memory_space<hbm>>) target_semaphore(%arg10 : memref<!tpu.dma_semaphore, #tpu.memory_space<semaphore_mem>>)
    %dma_wait3A_271 = arith.constant 1 : i32
    %dma_wait3A_272 = arith.constant 0 : i32
    %dma_wait3A_273 = arith.constant 4096 : i32
    %dma_wait3A_274 = tpu.memref_slice %arg5[%dma_wait3A_271, %dma_wait3A_272, %dma_wait3A_273] : memref<2x4x8192xf32, #tpu.memory_space<vmem>> -> memref<1x4x4096xf32, #tpu.memory_space<vmem>>
    %dma_wait3A_275 = tpu.memref_squeeze %dma_wait3A_274 : memref<1x4x4096xf32, #tpu.memory_space<vmem>> -> memref<4x4096xf32, #tpu.memory_space<vmem>>
    %dma_wait3A_276 = arith.constant 0 : i32
    %dma_wait3A_277 = tpu.memref_slice %arg3[%dma_wait3A_276, %add3A_123] : memref<4x1048576xf32, #tpu.memory_space<hbm>> -> memref<4x4096xf32, #tpu.memory_space<hbm>>
    %dma_wait3A_278 = arith.constant 0 : i32
    %dma_wait3A_279 = tpu.memref_slice %arg3[%dma_wait3A_278, %add3A_123] : memref<4x1048576xf32, #tpu.memory_space<hbm>> -> memref<4x4096xf32, #tpu.memory_space<hbm>>
    %dma_wait3A_280 = arith.constant 0 : i32
    %dma_wait3A_281 = arith.constant 4096 : i32
    %dma_wait3A_282 = tpu.memref_slice %arg5[%dma_wait3A_271, %dma_wait3A_280, %dma_wait3A_281] : memref<2x4x8192xf32, #tpu.memory_space<vmem>> -> memref<1x4x4096xf32, #tpu.memory_space<vmem>>
    %dma_wait3A_283 = tpu.memref_squeeze %dma_wait3A_282 : memref<1x4x4096xf32, #tpu.memory_space<vmem>> -> memref<4x4096xf32, #tpu.memory_space<vmem>>
    tpu.wait_dma2 semaphore(%arg11 : memref<!tpu.dma_semaphore, #tpu.memory_space<semaphore_mem>>) src(%dma_wait3A_283 : memref<4x4096xf32, #tpu.memory_space<vmem>>) dst(%dma_wait3A_279 : memref<4x4096xf32, #tpu.memory_space<hbm>>)
    %parallel_loop3A_284 = arith.constant 4096 : i32
    %parallel_loop3A_285 = arith.constant 8192 : i32
    %parallel_loop3A_286 = arith.constant 16 : i32
    %parallel_loop3A_287 = arith.constant 1 : i32
    %parallel_loop3A_288 = arith.constant 1 : i32
    scf.for %parallel_loop3A_358 = %parallel_loop3A_284 to %parallel_loop3A_285 step %parallel_loop3A_286  : i32 {
      %parallel_loop3A_359 = arith.constant 0 : i32
      %parallel_loop3A_360 = tpu.memref_slice %arg4[%parallel_loop3A_287, %parallel_loop3A_359] : memref<2x8192xi32, #tpu.memory_space<vmem>> -> memref<1x8192xi32, #tpu.memory_space<vmem>>
      %parallel_loop3A_361 = tpu.memref_squeeze %parallel_loop3A_360 : memref<1x8192xi32, #tpu.memory_space<vmem>> -> memref<8192xi32, #tpu.memory_space<vmem>>
      %parallel_loop3A_362 = arith.index_cast %parallel_loop3A_358 : i32 to index
      %parallel_loop3A_363 = tpu.vector_load %parallel_loop3A_361[%parallel_loop3A_362] {strides = array<i32>} : memref<8192xi32, #tpu.memory_space<vmem>>, vector<16xi32>,
      %parallel_loop3A_364 = vector.shape_cast %parallel_loop3A_363 : vector<16xi32> to vector<16xi32>
      %parallel_loop3A_365 = arith.constant 4 : i32
      %parallel_loop3A_366 = vector.broadcast %parallel_loop3A_365 : i32 to vector<16xi32>
      %parallel_loop3A_367 = arith.cmpi eq, %parallel_loop3A_364, %parallel_loop3A_366 : vector<16xi32>
      %parallel_loop3A_368 = arith.constant 2.500000e-01 : f32
      %parallel_loop3A_369 = arith.constant 0.000000e+00 : f32
      %parallel_loop3A_370 = vector.broadcast %parallel_loop3A_368 : f32 to vector<16xf32>
      %parallel_loop3A_371 = vector.broadcast %parallel_loop3A_369 : f32 to vector<16xf32>
      %parallel_loop3A_372 = arith.select %parallel_loop3A_367, %parallel_loop3A_370, %parallel_loop3A_371 : vector<16xi1>, vector<16xf32>
      %parallel_loop3A_373 = arith.constant 0 : i32
      %parallel_loop3A_374 = vector.broadcast %parallel_loop3A_373 : i32 to vector<16xi32>
      %parallel_loop3A_375 = arith.cmpi eq, %parallel_loop3A_364, %parallel_loop3A_374 : vector<16xi32>
      %parallel_loop3A_376 = arith.constant 1.000000e+00 : f32
      %parallel_loop3A_377 = vector.broadcast %parallel_loop3A_376 : f32 to vector<16xf32>
      %parallel_loop3A_378 = arith.select %parallel_loop3A_375, %parallel_loop3A_377, %parallel_loop3A_372 : vector<16xi1>, vector<16xf32>
      %parallel_loop3A_379 = arith.constant 0 : i32
      %parallel_loop3A_380 = arith.constant 0 : i32
      %parallel_loop3A_381 = arith.constant 0 : i32
      %parallel_loop3A_382 = tpu.memref_slice %arg5[%parallel_loop3A_288, %parallel_loop3A_380, %parallel_loop3A_381] : memref<2x4x8192xf32, #tpu.memory_space<vmem>> -> memref<1x4x8192xf32, #tpu.memory_space<vmem>>
      %parallel_loop3A_383 = tpu.memref_squeeze %parallel_loop3A_382 : memref<1x4x8192xf32, #tpu.memory_space<vmem>> -> memref<4x8192xf32, #tpu.memory_space<vmem>>
      %parallel_loop3A_384 = arith.index_cast %parallel_loop3A_379 : i32 to index
      %parallel_loop3A_385 = arith.index_cast %parallel_loop3A_358 : i32 to index
      %parallel_loop3A_386 = tpu.vector_load %parallel_loop3A_383[%parallel_loop3A_384, %parallel_loop3A_385] {strides = array<i32>} : memref<4x8192xf32, #tpu.memory_space<vmem>>, vector<1x16xf32>,
      %parallel_loop3A_387 = vector.shape_cast %parallel_loop3A_386 : vector<1x16xf32> to vector<16xf32>
      %parallel_loop3A_388 = vector.shape_cast %parallel_loop3A_378 : vector<16xf32> to vector<1x16xf32>
      tpu.vector_store %parallel_loop3A_383[%parallel_loop3A_384, %parallel_loop3A_385], %parallel_loop3A_388 {strides = array<i32>} : memref<4x8192xf32, #tpu.memory_space<vmem>>, vector<1x16xf32>,
      %parallel_loop3A_389 = arith.constant 1 : i32
      %parallel_loop3A_390 = vector.broadcast %parallel_loop3A_389 : i32 to vector<16xi32>
      %parallel_loop3A_391 = arith.cmpi eq, %parallel_loop3A_364, %parallel_loop3A_390 : vector<16xi32>
      %parallel_loop3A_392 = arith.constant 1.000000e+00 : f32
      %parallel_loop3A_393 = vector.broadcast %parallel_loop3A_392 : f32 to vector<16xf32>
      %parallel_loop3A_394 = arith.select %parallel_loop3A_391, %parallel_loop3A_393, %parallel_loop3A_372 : vector<16xi1>, vector<16xf32>
      %parallel_loop3A_395 = arith.constant 1 : i32
      %parallel_loop3A_396 = arith.constant 0 : i32
      %parallel_loop3A_397 = arith.constant 0 : i32
      %parallel_loop3A_398 = tpu.memref_slice %arg5[%parallel_loop3A_288, %parallel_loop3A_396, %parallel_loop3A_397] : memref<2x4x8192xf32, #tpu.memory_space<vmem>> -> memref<1x4x8192xf32, #tpu.memory_space<vmem>>
      %parallel_loop3A_399 = tpu.memref_squeeze %parallel_loop3A_398 : memref<1x4x8192xf32, #tpu.memory_space<vmem>> -> memref<4x8192xf32, #tpu.memory_space<vmem>>
      %parallel_loop3A_400 = arith.index_cast %parallel_loop3A_395 : i32 to index
      %parallel_loop3A_401 = arith.index_cast %parallel_loop3A_358 : i32 to index
      %parallel_loop3A_402 = tpu.vector_load %parallel_loop3A_399[%parallel_loop3A_400, %parallel_loop3A_401] {strides = array<i32>} : memref<4x8192xf32, #tpu.memory_space<vmem>>, vector<1x16xf32>,
      %parallel_loop3A_403 = vector.shape_cast %parallel_loop3A_402 : vector<1x16xf32> to vector<16xf32>
      %parallel_loop3A_404 = vector.shape_cast %parallel_loop3A_394 : vector<16xf32> to vector<1x16xf32>
      tpu.vector_store %parallel_loop3A_399[%parallel_loop3A_400, %parallel_loop3A_401], %parallel_loop3A_404 {strides = array<i32>} : memref<4x8192xf32, #tpu.memory_space<vmem>>, vector<1x16xf32>,
      %parallel_loop3A_405 = arith.constant 2 : i32
      %parallel_loop3A_406 = vector.broadcast %parallel_loop3A_405 : i32 to vector<16xi32>
      %parallel_loop3A_407 = arith.cmpi eq, %parallel_loop3A_364, %parallel_loop3A_406 : vector<16xi32>
      %parallel_loop3A_408 = arith.constant 1.000000e+00 : f32
      %parallel_loop3A_409 = vector.broadcast %parallel_loop3A_408 : f32 to vector<16xf32>
      %parallel_loop3A_410 = arith.select %parallel_loop3A_407, %parallel_loop3A_409, %parallel_loop3A_372 : vector<16xi1>, vector<16xf32>
      %parallel_loop3A_411 = arith.constant 2 : i32
      %parallel_loop3A_412 = arith.constant 0 : i32
      %parallel_loop3A_413 = arith.constant 0 : i32
      %parallel_loop3A_414 = tpu.memref_slice %arg5[%parallel_loop3A_288, %parallel_loop3A_412, %parallel_loop3A_413] : memref<2x4x8192xf32, #tpu.memory_space<vmem>> -> memref<1x4x8192xf32, #tpu.memory_space<vmem>>
      %parallel_loop3A_415 = tpu.memref_squeeze %parallel_loop3A_414 : memref<1x4x8192xf32, #tpu.memory_space<vmem>> -> memref<4x8192xf32, #tpu.memory_space<vmem>>
      %parallel_loop3A_416 = arith.index_cast %parallel_loop3A_411 : i32 to index
      %parallel_loop3A_417 = arith.index_cast %parallel_loop3A_358 : i32 to index
      %parallel_loop3A_418 = tpu.vector_load %parallel_loop3A_415[%parallel_loop3A_416, %parallel_loop3A_417] {strides = array<i32>} : memref<4x8192xf32, #tpu.memory_space<vmem>>, vector<1x16xf32>,
      %parallel_loop3A_419 = vector.shape_cast %parallel_loop3A_418 : vector<1x16xf32> to vector<16xf32>
      %parallel_loop3A_420 = vector.shape_cast %parallel_loop3A_410 : vector<16xf32> to vector<1x16xf32>
      tpu.vector_store %parallel_loop3A_415[%parallel_loop3A_416, %parallel_loop3A_417], %parallel_loop3A_420 {strides = array<i32>} : memref<4x8192xf32, #tpu.memory_space<vmem>>, vector<1x16xf32>,
      %parallel_loop3A_421 = arith.constant 3 : i32
      %parallel_loop3A_422 = vector.broadcast %parallel_loop3A_421 : i32 to vector<16xi32>
      %parallel_loop3A_423 = arith.cmpi eq, %parallel_loop3A_364, %parallel_loop3A_422 : vector<16xi32>
      %parallel_loop3A_424 = arith.constant 1.000000e+00 : f32
      %parallel_loop3A_425 = vector.broadcast %parallel_loop3A_424 : f32 to vector<16xf32>
      %parallel_loop3A_426 = arith.select %parallel_loop3A_423, %parallel_loop3A_425, %parallel_loop3A_372 : vector<16xi1>, vector<16xf32>
      %parallel_loop3A_427 = arith.constant 3 : i32
      %parallel_loop3A_428 = arith.constant 0 : i32
      %parallel_loop3A_429 = arith.constant 0 : i32
      %parallel_loop3A_430 = tpu.memref_slice %arg5[%parallel_loop3A_288, %parallel_loop3A_428, %parallel_loop3A_429] : memref<2x4x8192xf32, #tpu.memory_space<vmem>> -> memref<1x4x8192xf32, #tpu.memory_space<vmem>>
      %parallel_loop3A_431 = tpu.memref_squeeze %parallel_loop3A_430 : memref<1x4x8192xf32, #tpu.memory_space<vmem>> -> memref<4x8192xf32, #tpu.memory_space<vmem>>
      %parallel_loop3A_432 = arith.index_cast %parallel_loop3A_427 : i32 to index
      %parallel_loop3A_433 = arith.index_cast %parallel_loop3A_358 : i32 to index
      %parallel_loop3A_434 = tpu.vector_load %parallel_loop3A_431[%parallel_loop3A_432, %parallel_loop3A_433] {strides = array<i32>} : memref<4x8192xf32, #tpu.memory_space<vmem>>, vector<1x16xf32>,
      %parallel_loop3A_435 = vector.shape_cast %parallel_loop3A_434 : vector<1x16xf32> to vector<16xf32>
      %parallel_loop3A_436 = vector.shape_cast %parallel_loop3A_426 : vector<16xf32> to vector<1x16xf32>
      tpu.vector_store %parallel_loop3A_431[%parallel_loop3A_432, %parallel_loop3A_433], %parallel_loop3A_436 {strides = array<i32>} : memref<4x8192xf32, #tpu.memory_space<vmem>>, vector<1x16xf32>,
    } {sc.loop_unroll_factor = 2 : i64, sc.parallel_access}
    %add3A_289 = arith.constant 24576 : i32
    %add3A_290 = arith.addi %mul3A_2, %add3A_289 : i32
    %add3A_291 = arith.constant 4096 : i32
    %add3A_292 = arith.addi %add3A_290, %add3A_291 : i32
    %dma_start3A_293 = arith.constant 1 : i32
    %dma_start3A_294 = arith.constant 0 : i32
    %dma_start3A_295 = arith.constant 4096 : i32
    %dma_start3A_296 = tpu.memref_slice %arg5[%dma_start3A_293, %dma_start3A_294, %dma_start3A_295] : memref<2x4x8192xf32, #tpu.memory_space<vmem>> -> memref<1x4x4096xf32, #tpu.memory_space<vmem>>
    %dma_start3A_297 = tpu.memref_squeeze %dma_start3A_296 : memref<1x4x4096xf32, #tpu.memory_space<vmem>> -> memref<4x4096xf32, #tpu.memory_space<vmem>>
    %dma_start3A_298 = arith.constant 0 : i32
    %dma_start3A_299 = tpu.memref_slice %arg3[%dma_start3A_298, %add3A_292] : memref<4x1048576xf32, #tpu.memory_space<hbm>> -> memref<4x4096xf32, #tpu.memory_space<hbm>>
    %dma_start3A_300 = arith.constant 0 : i32
    %dma_start3A_301 = tpu.memref_slice %arg3[%dma_start3A_300, %add3A_292] : memref<4x1048576xf32, #tpu.memory_space<hbm>> -> memref<4x4096xf32, #tpu.memory_space<hbm>>
    %dma_start3A_302 = arith.constant 0 : i32
    %dma_start3A_303 = arith.constant 4096 : i32
    %dma_start3A_304 = tpu.memref_slice %arg5[%dma_start3A_293, %dma_start3A_302, %dma_start3A_303] : memref<2x4x8192xf32, #tpu.memory_space<vmem>> -> memref<1x4x4096xf32, #tpu.memory_space<vmem>>
    %dma_start3A_305 = tpu.memref_squeeze %dma_start3A_304 : memref<1x4x4096xf32, #tpu.memory_space<vmem>> -> memref<4x4096xf32, #tpu.memory_space<vmem>>
    tpu.enqueue_dma source(%dma_start3A_305 : memref<4x4096xf32, #tpu.memory_space<vmem>>) target(%dma_start3A_301 : memref<4x4096xf32, #tpu.memory_space<hbm>>) target_semaphore(%arg11 : memref<!tpu.dma_semaphore, #tpu.memory_space<semaphore_mem>>)
    %dma_wait3A_306 = arith.constant 0 : i32
    %dma_wait3A_307 = arith.constant 0 : i32
    %dma_wait3A_308 = arith.constant 0 : i32
    %dma_wait3A_309 = tpu.memref_slice %arg5[%dma_wait3A_306, %dma_wait3A_307, %dma_wait3A_308] : memref<2x4x8192xf32, #tpu.memory_space<vmem>> -> memref<1x4x4096xf32, #tpu.memory_space<vmem>>
    %dma_wait3A_310 = tpu.memref_squeeze %dma_wait3A_309 : memref<1x4x4096xf32, #tpu.memory_space<vmem>> -> memref<4x4096xf32, #tpu.memory_space<vmem>>
    %dma_wait3A_311 = arith.constant 0 : i32
    %dma_wait3A_312 = tpu.memref_slice %arg3[%dma_wait3A_311, %add3A_178] : memref<4x1048576xf32, #tpu.memory_space<hbm>> -> memref<4x4096xf32, #tpu.memory_space<hbm>>
    %dma_wait3A_313 = arith.constant 0 : i32
    %dma_wait3A_314 = tpu.memref_slice %arg3[%dma_wait3A_313, %add3A_178] : memref<4x1048576xf32, #tpu.memory_space<hbm>> -> memref<4x4096xf32, #tpu.memory_space<hbm>>
    %dma_wait3A_315 = arith.constant 0 : i32
    %dma_wait3A_316 = arith.constant 0 : i32
    %dma_wait3A_317 = tpu.memref_slice %arg5[%dma_wait3A_306, %dma_wait3A_315, %dma_wait3A_316] : memref<2x4x8192xf32, #tpu.memory_space<vmem>> -> memref<1x4x4096xf32, #tpu.memory_space<vmem>>
    %dma_wait3A_318 = tpu.memref_squeeze %dma_wait3A_317 : memref<1x4x4096xf32, #tpu.memory_space<vmem>> -> memref<4x4096xf32, #tpu.memory_space<vmem>>
    tpu.wait_dma2 semaphore(%arg8 : memref<!tpu.dma_semaphore, #tpu.memory_space<semaphore_mem>>) src(%dma_wait3A_318 : memref<4x4096xf32, #tpu.memory_space<vmem>>) dst(%dma_wait3A_314 : memref<4x4096xf32, #tpu.memory_space<hbm>>)
    %dma_wait3A_319 = arith.constant 0 : i32
    %dma_wait3A_320 = arith.constant 0 : i32
    %dma_wait3A_321 = arith.constant 4096 : i32
    %dma_wait3A_322 = tpu.memref_slice %arg5[%dma_wait3A_319, %dma_wait3A_320, %dma_wait3A_321] : memref<2x4x8192xf32, #tpu.memory_space<vmem>> -> memref<1x4x4096xf32, #tpu.memory_space<vmem>>
    %dma_wait3A_323 = tpu.memref_squeeze %dma_wait3A_322 : memref<1x4x4096xf32, #tpu.memory_space<vmem>> -> memref<4x4096xf32, #tpu.memory_space<vmem>>
    %dma_wait3A_324 = arith.constant 0 : i32
    %dma_wait3A_325 = tpu.memref_slice %arg3[%dma_wait3A_324, %add3A_213] : memref<4x1048576xf32, #tpu.memory_space<hbm>> -> memref<4x4096xf32, #tpu.memory_space<hbm>>
    %dma_wait3A_326 = arith.constant 0 : i32
    %dma_wait3A_327 = tpu.memref_slice %arg3[%dma_wait3A_326, %add3A_213] : memref<4x1048576xf32, #tpu.memory_space<hbm>> -> memref<4x4096xf32, #tpu.memory_space<hbm>>
    %dma_wait3A_328 = arith.constant 0 : i32
    %dma_wait3A_329 = arith.constant 4096 : i32
    %dma_wait3A_330 = tpu.memref_slice %arg5[%dma_wait3A_319, %dma_wait3A_328, %dma_wait3A_329] : memref<2x4x8192xf32, #tpu.memory_space<vmem>> -> memref<1x4x4096xf32, #tpu.memory_space<vmem>>
    %dma_wait3A_331 = tpu.memref_squeeze %dma_wait3A_330 : memref<1x4x4096xf32, #tpu.memory_space<vmem>> -> memref<4x4096xf32, #tpu.memory_space<vmem>>
    tpu.wait_dma2 semaphore(%arg9 : memref<!tpu.dma_semaphore, #tpu.memory_space<semaphore_mem>>) src(%dma_wait3A_331 : memref<4x4096xf32, #tpu.memory_space<vmem>>) dst(%dma_wait3A_327 : memref<4x4096xf32, #tpu.memory_space<hbm>>)
    %dma_wait3A_332 = arith.constant 1 : i32
    %dma_wait3A_333 = arith.constant 0 : i32
    %dma_wait3A_334 = arith.constant 0 : i32
    %dma_wait3A_335 = tpu.memref_slice %arg5[%dma_wait3A_332, %dma_wait3A_333, %dma_wait3A_334] : memref<2x4x8192xf32, #tpu.memory_space<vmem>> -> memref<1x4x4096xf32, #tpu.memory_space<vmem>>
    %dma_wait3A_336 = tpu.memref_squeeze %dma_wait3A_335 : memref<1x4x4096xf32, #tpu.memory_space<vmem>> -> memref<4x4096xf32, #tpu.memory_space<vmem>>
    %dma_wait3A_337 = arith.constant 0 : i32
    %dma_wait3A_338 = tpu.memref_slice %arg3[%dma_wait3A_337, %add3A_257] : memref<4x1048576xf32, #tpu.memory_space<hbm>> -> memref<4x4096xf32, #tpu.memory_space<hbm>>
    %dma_wait3A_339 = arith.constant 0 : i32
    %dma_wait3A_340 = tpu.memref_slice %arg3[%dma_wait3A_339, %add3A_257] : memref<4x1048576xf32, #tpu.memory_space<hbm>> -> memref<4x4096xf32, #tpu.memory_space<hbm>>
    %dma_wait3A_341 = arith.constant 0 : i32
    %dma_wait3A_342 = arith.constant 0 : i32
    %dma_wait3A_343 = tpu.memref_slice %arg5[%dma_wait3A_332, %dma_wait3A_341, %dma_wait3A_342] : memref<2x4x8192xf32, #tpu.memory_space<vmem>> -> memref<1x4x4096xf32, #tpu.memory_space<vmem>>
    %dma_wait3A_344 = tpu.memref_squeeze %dma_wait3A_343 : memref<1x4x4096xf32, #tpu.memory_space<vmem>> -> memref<4x4096xf32, #tpu.memory_space<vmem>>
    tpu.wait_dma2 semaphore(%arg10 : memref<!tpu.dma_semaphore, #tpu.memory_space<semaphore_mem>>) src(%dma_wait3A_344 : memref<4x4096xf32, #tpu.memory_space<vmem>>) dst(%dma_wait3A_340 : memref<4x4096xf32, #tpu.memory_space<hbm>>)
    %dma_wait3A_345 = arith.constant 1 : i32
    %dma_wait3A_346 = arith.constant 0 : i32
    %dma_wait3A_347 = arith.constant 4096 : i32
    %dma_wait3A_348 = tpu.memref_slice %arg5[%dma_wait3A_345, %dma_wait3A_346, %dma_wait3A_347] : memref<2x4x8192xf32, #tpu.memory_space<vmem>> -> memref<1x4x4096xf32, #tpu.memory_space<vmem>>
    %dma_wait3A_349 = tpu.memref_squeeze %dma_wait3A_348 : memref<1x4x4096xf32, #tpu.memory_space<vmem>> -> memref<4x4096xf32, #tpu.memory_space<vmem>>
    %dma_wait3A_350 = arith.constant 0 : i32
    %dma_wait3A_351 = tpu.memref_slice %arg3[%dma_wait3A_350, %add3A_292] : memref<4x1048576xf32, #tpu.memory_space<hbm>> -> memref<4x4096xf32, #tpu.memory_space<hbm>>
    %dma_wait3A_352 = arith.constant 0 : i32
    %dma_wait3A_353 = tpu.memref_slice %arg3[%dma_wait3A_352, %add3A_292] : memref<4x1048576xf32, #tpu.memory_space<hbm>> -> memref<4x4096xf32, #tpu.memory_space<hbm>>
    %dma_wait3A_354 = arith.constant 0 : i32
    %dma_wait3A_355 = arith.constant 4096 : i32
    %dma_wait3A_356 = tpu.memref_slice %arg5[%dma_wait3A_345, %dma_wait3A_354, %dma_wait3A_355] : memref<2x4x8192xf32, #tpu.memory_space<vmem>> -> memref<1x4x4096xf32, #tpu.memory_space<vmem>>
    %dma_wait3A_357 = tpu.memref_squeeze %dma_wait3A_356 : memref<1x4x4096xf32, #tpu.memory_space<vmem>> -> memref<4x4096xf32, #tpu.memory_space<vmem>>
    tpu.wait_dma2 semaphore(%arg11 : memref<!tpu.dma_semaphore, #tpu.memory_space<semaphore_mem>>) src(%dma_wait3A_357 : memref<4x4096xf32, #tpu.memory_space<vmem>>) dst(%dma_wait3A_353 : memref<4x4096xf32, #tpu.memory_space<hbm>>)
    return
  }
}

</mosaic_0001>

<sc_bundles>
// kernel: kernel.3.cloned.1.call-start
scs
__scs_entry_jumppad:
0x0: {  	(pc) =	sbr.rel $0x88, $3  }
0x1: {  	(tag) =	ssettag $0x0;
	lr =	simm.s32 $0x1  }
0x2: {  	[smem:$0x3FA0] =	sst lr;
	_ =	strace $0xD0000000  }
0x3: {  	_ = 	snop  }
0x4: {  	_ = 	snop  }
0x5: {  	_ = 	snop  }
0x6: {  	_ = 	snop  }
0x7: {  	_ = 	snop  }
__scs_overlays_trampoline_lowered:
0x8: {  	[smem:$0x3FAF] =	sst s0  }
0x9: {  	[smem:$0x3FB0] =	sst s1  }
0xa: {  	[smem:$0x3FB1] =	sst s2  }
0xb: {  	[smem:$0x3FB2] =	sst s3  }
0xc: {  	[smem:$0x3FB3] =	sst s4  }
0xd: {  	[smem:$0x3FB4] =	sst s5  }
0xe: {  	[smem:$0x3FB5] =	sst s6  }
0xf: {  	[smem:$0x3FB6] =	sst s7  }
0x10: {  	[smem:$0x3FB7] =	sst s8  }
0x11: {  	[smem:$0x3FB8] =	sst s9;
	s0 =	simm.s32 @!p0 $0x0  }
0x12: {  	s1 =	sld [smem:$0x3F9E];
	s0 =	simm.s32 @p0 $0x1  }
0x13: {  	[smem:$0x3FB9] =	sst s0;
	s0 =	simm.s32 @!p1 $0x0  }
0x14: {  	s2 =	sld [smem:$0x3F9D];
	s0 =	simm.s32 @p1 $0x1  }
0x15: {  	[smem:$0x3FBA] =	sst s0;
	s0 =	simm.s32 @!p2 $0x0  }
0x16: {  	s3 =	sld [smem:$0x3FDB];
	s0 =	simm.s32 @p2 $0x1  }
0x17: {  	s4 =	simm.s32 $0x1BF5;
	[smem:$0x3FBC] =	sst s0  }
0x18: {  	s0 =	sld [smem:$0x3F9F];
	_ =	swait.ge [sflag:s4], $0x0  }
0x19: {  	s7 =	sld [smem:$0x3FA0]  }
0x1a: {  	s8 =	sadd.s32 $0xFFFFE003, lr  }
0x1b: {  	s9 =	sadd.s32 $0xFFFFFEF7, lr;
	s5 =	simm.s32 $0xFFFFFFFF;
	p2 =	slt.u32 s8, $0xFFFFF086  }
0x1c: {  	p1 =	slt.u32 s9, $0xF7A;
	s5 =	simm.s32 @!p2 $0x0  }
0x1d: {  	s5 =	simm.s32 @p1 $0x1;
	p0 =	seq.s32 s7, s2  }
0x1e: {  	s7 =	smul.u32 @!p0 $0xF7A, s2;
	p2 =	seq.s32 @!p0 s5, $0x0  }
0x1f: {  	s9 =	smul.u32 $0xF7A, s1;
	s8 =	simm.s32 @!p0 $0x1BF5;
	p2 =	por !p2, p0  }
0x20: {  	[sflag:s8] =	ssyncset.s32 @!p0 $0xFFFFF086;
	s6 =	sadd.s32 @!p0 s3, s7;
	s7 =	simm.s32 @!p0 $0x108  }
0x21: {  	s3 =	sadd.s32 s3, s9;
	s6 =	sadd.s32 @!p0 $0x88, s6;
	s7 =	simm.s32 @p2 $0x1082  }
0x22: {  	[simem:s7], [sflag:s8] =	dma.local @!p0 [hbm:s6], $0xF7A  }
0x23: {  	s9 =	sor.u32 $0xD0000000, s2;
	s6 =	simm.s32 $0x108;
	_ =	swait.ge @!p0 [sflag:s8], $0x0  }
0x24: {  	s3 =	sadd.s32 $0x88, s3;
	s6 =	simm.s32 @!p1 $0x1082;
	[sflag:s4] =	ssyncset.s32 $0xFFFFF086  }
0x25: {  	[simem:s6], [sflag:s4] =	dma.local [hbm:s3], $0xF7A  }
0x26: {  	[smem:$0x3FA0] =	sst s1;
	(tag) =	ssettag s2;
	_ =	strace s9  }
0x27: {  	s1 =	sld [smem:$0x3FB0]  }
0x28: {  	s2 =	sld [smem:$0x3FB1]  }
0x29: {  	s4 =	sld [smem:$0x3FB3]  }
0x2a: {  	p0 =	seq.s32 s5, $0x0;
	s5 =	sld [smem:$0x3FB4]  }
0x2b: {  	s6 =	sld [smem:$0x3FB5]  }
0x2c: {  	s7 =	sld [smem:$0x3FB6]  }
0x2d: {  	s3 =	simm.s32 $0x108;
	s8 =	sld [smem:$0x3FB7]  }
0x2e: {  	s3 =	simm.s32 @!p0 $0x1082;
	s9 =	sld [smem:$0x3FB8]  }
0x2f: {  	lr =	sadd.s32 s0, s3;
	s0 =	sld [smem:$0x3FAF]  }
0x30: {  	s3 =	sld [smem:$0x3FB2]  }
0x31: {  	[smem:$0x3FBB] =	sst s10  }
0x32: {  	s10 =	sld [smem:$0x3FB9];
	_ =	sdelay $0x3  }
0x33: {  	p0 =	seq.s32 s10, $0x1;
	s10 =	sld [smem:$0x3FBB];
	_ =	sdelay $0x3  }
0x34: {  	[smem:$0x3FBB] =	sst s10  }
0x35: {  	s10 =	sld [smem:$0x3FBA];
	_ =	sdelay $0x3  }
0x36: {  	p1 =	seq.s32 s10, $0x1;
	s10 =	sld [smem:$0x3FBB];
	_ =	sdelay $0x3  }
0x37: {  	[smem:$0x3FBB] =	sst s10  }
0x38: {  	s10 =	sld [smem:$0x3FBC]  }
0x39: {  	_ = 	snop;
	(pc) =	sbr.ind lr, $3  }
0x3a: {  	_ = 	snop  }
0x3b: {  	_ = 	snop  }
0x3c: {  	p2 =	seq.s32 s10, $0x1;
	s10 =	sld [smem:$0x3FBB]  }
0x3d: {  	_ =	shalt  }
0x3e: {  	_ =	shalt  }
0x3f: {  	_ =	shalt  }
0x40: {  	_ =	shalt  }
0x41: {  	_ =	shalt  }
0x42: {  	_ =	shalt  }
0x43: {  	_ =	shalt  }
0x44: {  	_ =	shalt  }
0x45: {  	_ =	shalt  }
0x46: {  	_ =	shalt  }
0x47: {  	_ =	shalt  }
0x48: {  	_ =	shalt  }
0x49: {  	_ =	shalt  }
0x4a: {  	_ =	shalt  }
0x4b: {  	_ =	shalt  }
0x4c: {  	_ =	shalt  }
0x4d: {  	_ =	shalt  }
0x4e: {  	_ =	shalt  }
0x4f: {  	_ =	shalt  }
0x50: {  	_ =	shalt  }
0x51: {  	_ =	shalt  }
0x52: {  	_ =	shalt  }
0x53: {  	_ =	shalt  }
0x54: {  	_ =	shalt  }
0x55: {  	_ =	shalt  }
0x56: {  	_ =	shalt  }
0x57: {  	_ =	shalt  }
0x58: {  	_ =	shalt  }
0x59: {  	_ =	shalt  }
0x5a: {  	_ =	shalt  }
0x5b: {  	_ =	shalt  }
0x5c: {  	_ =	shalt  }
0x5d: {  	_ =	shalt  }
0x5e: {  	_ =	shalt  }
0x5f: {  	_ =	shalt  }
0x60: {  	_ =	shalt  }
0x61: {  	_ =	shalt  }
0x62: {  	_ =	shalt  }
0x63: {  	_ =	shalt  }
0x64: {  	_ =	shalt  }
0x65: {  	_ =	shalt  }
0x66: {  	_ =	shalt  }
0x67: {  	_ =	shalt  }
0x68: {  	_ =	shalt  }
0x69: {  	_ =	shalt  }
0x6a: {  	_ =	shalt  }
0x6b: {  	_ =	shalt  }
0x6c: {  	_ =	shalt  }
0x6d: {  	_ =	shalt  }
0x6e: {  	_ =	shalt  }
0x6f: {  	_ =	shalt  }
0x70: {  	_ =	shalt  }
0x71: {  	_ =	shalt  }
0x72: {  	_ =	shalt  }
0x73: {  	_ =	shalt  }
0x74: {  	_ =	shalt  }
0x75: {  	_ =	shalt  }
0x76: {  	_ =	shalt  }
0x77: {  	_ =	shalt  }
0x78: {  	_ =	shalt  }
0x79: {  	_ =	shalt  }
0x7a: {  	_ =	shalt  }
0x7b: {  	_ =	shalt  }
0x7c: {  	_ =	shalt  }
0x7d: {  	_ =	shalt  }
0x7e: {  	_ =	shalt  }
0x7f: {  	_ =	shalt  }
0x80: {  	_ =	shalt  }
0x81: {  	_ =	shalt  }
0x82: {  	_ =	shalt  }
0x83: {  	_ =	shalt  }
0x84: {  	_ =	shalt  }
0x85: {  	_ =	shalt  }
0x86: {  	_ =	shalt  }
0x87: {  	_ =	shalt  }
.Lfunc_end0:
.L_simem_size_0:
called_computation_lowered:
.L_overlay_start_0:
0x88: {  	s2 =	sld [smem:$0x3FD9]  }
0x89: {  	s3 =	sld [smem:$0x3FFE];
	_ =	sdelay $0x1  }
0x8a: {  	s1 =	srdreg.scid  }
0x8b: {  	s0 =	sand.u32 $0x1, s1  }
0x8c: {  	s18 =	sshll.u32 s0, $0xA;
	s2 =	sadd.s32 s3, s2  }
0x8d: {  	s2 =	sadd.s32 s2, s18  }
0x8e: {  	[smem:$0x3FC7] =	sst s2  }
0x8f: {  	_ = 	snop  }
0x90: {  	s2 =	sld [smem:$0x3FC9]  }
0x91: {  	s19 =	sld [smem:$0x3FD0];
	(tm) =	ssettm $0x1  }
0x92: {  	s4 =	sld [smem:$0x3FFB];
	_ =	sdelay $0x3  }
0x93: {  	_ =	strace s4  }
0x94: {  	s4 =	sld [smem:$0x3FFC];
	_ =	sdelay $0x3  }
0x95: {  	_ =	strace s4  }
0x96: {  	s4 =	sld [smem:$0x3FFD];
	_ =	sdelay $0x3  }
0x97: {  	_ =	strace s4  }
0x98: {  	_ =	strace $0x8FFFFFFF  }
0x99: {  	s20 =	sld [smem:$0x3FDB];
	_ =	sdelay $0x1  }
0x9a: {  	s5 =	simm.s32 $_scs_section_size  }
0x9b: {  	s6 =	simm.s32 $_size__tile_overlayer_lowered;
	s7 =	simm.s32 $_tile_overlayer_lowered  }
0x9c: {  	s23 =	simm.s32 $0x1BFF;
	s22 =	sshll.u32 s7, $0x1;
	s4 =	sadd.s32 s5, s20  }
0x9d: {  	s8 =	simm.s32 $0x0;
	s21 =	sshll.u32 s6, $0x1;
	s6 =	sadd.s32 s22, s4  }
0x9e: {  	[timem:s8], [sflag:s23] =	dma.local [hbm:s6], s21  }
0x9f: {  	_ =	swait.ge [sflag:s23], s21  }
0xa0: {  	s5 =	ssub.s32 $0x0, s21;
	[sflag:s23] =	ssyncset.done $0x0  }
0xa1: {  	[sflag:s23] =	ssyncadd.s32 s5;
	_ =	sdelay $0x1  }
0xa2: {  	s24 =	simm.s32 $0x1B8B  }
0xa3: {  	_ =	swait.ge [sflag:s24], $0x1  }
0xa4: {  	[sflag:s24] =	ssyncset.done $0x0  }
0xa5: {  	s25 =	simm.s32 $0x1B8E;
	[sflag:s24] =	ssyncadd.s32 $0xFFFFFFFF  }
0xa6: {  	s26 =	simm.s32 $execute0_lowered;
	[smem:$0x3FD2] =	sst s25  }
0xa7: {  	s5 =	sshll.u32 s26, $0x1;
	_ =	strace $0x80000046;
	[dreg:$0x1] =	wrdreg $0xFFFFFFFF  }
0xa8: {  	s28 =	simm.s32 $_size_execute0_lowered;
	s4 =	sadd.s32 s4, s5;
	[dreg:$0x0] =	wrdreg $0x0  }
0xa9: {  	s5 =	sshll.u32 s28, $0x1;
	[dreg:$0x2] =	wrdreg s4  }
0xaa: {  	[dreg:$0x3] =	wrdreg s5  }
0xab: {  	[dreg:$0x4] =	wrdreg $0xC0  }
0xac: {  	_ =	task [dreg:s8], $0x5FFFF  }
0xad: {  	[dreg:$0x1] =	wrdreg $0xFFFFFFFF  }
0xae: {  	[dreg:$0x0] =	wrdreg $0x60  }
0xaf: {  	[dreg:$0x2] =	wrdreg s2  }
0xb0: {  	[dreg:$0x3] =	wrdreg s19  }
0xb1: {  	[dreg:$0x4] =	wrdreg $0x9  }
0xb2: {  	_ =	task.clear_ibuf [dreg:s8], $0x5FFFF;
	_ =	strace $0x90000046  }
0xb3: {  	s29 =	simm.s32 $0x9;
	_ =	strace $0x80000048  }
0xb4: {  	_ =	swait.ge [sflag:s29], $0x1  }
0xb5: {  	[sflag:s29] =	ssyncadd.s32 $0xFFFFFFFF  }
0xb6: {  	_ =	strace $0x90000048  }
0xb7: {  	_ =	sfence  }
0xb8: {  	s30 =	sld [smem:$0x0];
	_ =	sdelay $0x2  }
0xb9: {  	s31 =	sshll.u32 s1, $0xD;
	s1 =	sshrl.u32 s1, $0x2  }
0xba: {  	s3 =	sand.u32 $0x4000, s31;
	s1 =	sadd.s32 s1, s30  }
0xbb: {  	s0 =	sor.u32 s3, s0;
	s1 =	sshll.u32 s1, $0x11  }
0xbc: {  	s0 =	sor.u32 s1, s0  }
0xbd: {  	s0 =	sadd.s32 $0x8F2B, s0  }
0xbe: {  	[sflag:s0] =	ssyncadd.remote.s32 $0x1  }
0xbf: {  	_ =	sfence.sel $0xFFFF  }
0xc0: {  	[dreg:$0x0] =	wrdreg $0xFFFFFFFF;
	(pc) =	sbr.abs _section_cstart, $3  }
0xc1: {  	[dreg:$0x1] =	wrdreg $0xFFFFFFFF  }
0xc2: {  	_ =	task.clear_ibuf [dreg:s8], $0x2FFFF;
	_ =	strace $0x9FFFFFFF  }
0xc3: {  	(tm) =	ssettm $0x7FFFFFFF  }
tec
execute0_lowered:
.L_overlay_start_1:
0x0: {  	(tag) =	ssettag $0x1  }
0x1: {  	s0 =	rddreg [dreg:$0x0]  }
0x2: {  	s1 =	rddreg [dreg:$0x1];
	s2 =	srdreg.scid  }
0x3: {  	s4 =	stileid.u32;
	s16 =	simm.s32 $0x1;
	s19 =	simm.s32 $0x2  }
0x4: {  	s21 =	simm.s32 $0x10000;
	s22 =	simm.s32 $0x3;
	s23 =	simm.s32 $0x4  }
0x5: {  	s24 =	simm.s32 $0x5;
	s25 =	simm.s32 $0x6;
	s3 =	sand.u32 $0x1, s2  }
0x6: {  	s2 =	simm.s32 $0x0;
	s4 =	sshll.u32 s4, $0x10;
	s5 =	sshll.u32 s3, $0xF  }
0x7: {  	[smem:$0x7FF] =	sst s2;
	s3 =	ssub.s32 $0x2, s3;
	s4 =	sor.u32 s5, s4  }
0x8: {  	_ =	strace $0x80000047;
	s26 =	sshrl.u32 s3, $0x1;
	s9 =	sshrl.u32 s4, $0x7  }
0x9: {  	s15 =	ssub.s32 s3, s26;
	s28 =	sshrl.u32 s4, $0x3;
	s6 =	sshrl.u32 s4, $0x1  }
0xa: {  	s26 =	simm.s32 $0x0;
	s7 =	sor.u32 $0x40, s9;
	s3 =	sadd.s32 s0, s28  }
0xb: {  	s5 =	sadd.s32 s1, s6;
	s10 =	sor.u32 $0x80, s9;
	s12 =	sor.u32 $0xC0, s9  }
0xc: {  	s15 =	smax.u32 s15, $0x1;
	s29 =	sshll.u32 s7, $0x4;
	s6 =	sadd.s32 $0x800, s5  }
0xd: {  	s8 =	sshll.u32 s10, $0x4;
	s11 =	sshll.u32 s7, $0x6;
	s9 =	sadd.s32 $0x1800, s5  }
0xe: {  	s30 =	sshll.u32 s12, $0x4;
	s13 =	sshll.u32 s10, $0x6;
	s31 =	sshll.u32 s12, $0x6  }
0xf: {  	s12 =	sadd.s32 $0x2800, s5;
	s14 =	sadd.s32 $0x3800, s5;
	s4 =	sadd.s32 s0, s29  }
0x10: {  	[dreg:$0x3] =	wrdreg s6;
	s7 =	sadd.s32 s0, s8;
	s8 =	sadd.s32 s1, s11  }
0x11: {  	v0 =	vimm.f32 $0.0e+00;
	s10 =	sadd.s32 s0, s30;
	s11 =	sadd.s32 s1, s13;
	s13 =	sadd.s32 s1, s31  }
.LBB2_1:
0x12: {  	s0 =	simm.s32 $0x10  }
0x13: {  	s29 =	sadd.s32 $0x0, s3;
	s1 =	simm.s32 $0x100;
	s28 =	simm.s32 $0x0  }
.LBB2_2:
0x14: {  	[tilespmem:s28], [sflag:$0x1] =	stream.linear.gather [hbm4b:s29+s2], $0x80, $0x38;
	[tilespmem:$0x14000] =	vst v63  }
0x15: {  	s29 =	smov.u32 s0;
	s28 =	smov.u32 s1;
	p0 =	sne.s32 s0, $0x3F0  }
.Ltmp0:
0x16: {  	s0 =	sadd.s32 $0x10, s0;
	(pc) =	sbr.rel @p0 .LBB2_2-.Ltmp0, $2  }
0x17: {  	_ =	sdelay $0x2  }
0x18: {  	s1 =	sadd.s32 $0x100, s1;
	s29 =	sadd.s32 s29, s3  }
0x19: {  	[tilespmem:s28], [sflag:$0x1] =	stream.linear.gather [hbm4b:s29+s2], $0x80, $0x38;
	[tilespmem:$0x14000] =	vst v63  }
0x1a: {  	s0 =	simm.s32 $0x80  }
0x1b: {  	s1 =	simm.s32 $0x10;
	s29 =	sadd.s32 $0x0, s4;
	s28 =	simm.s32 $0x180  }
.LBB2_4:
0x1c: {  	[tilespmem:s0], [sflag:$0x2] =	stream.linear.gather [hbm4b:s29+s2], $0x80, $0x38;
	[tilespmem:$0x14000] =	vst v63  }
0x1d: {  	s29 =	smov.u32 s1;
	s0 =	smov.u32 s28;
	p0 =	sne.s32 s1, $0x3F0  }
.Ltmp1:
0x1e: {  	s1 =	sadd.s32 $0x10, s1;
	(pc) =	sbr.rel @p0 .LBB2_4-.Ltmp1, $2  }
0x1f: {  	_ =	sdelay $0x2  }
0x20: {  	s28 =	sadd.s32 $0x100, s28;
	s29 =	sadd.s32 s29, s4  }
0x21: {  	[tilespmem:s0], [sflag:$0x2] =	stream.linear.gather [hbm4b:s29+s2], $0x80, $0x38;
	[tilespmem:$0x14000] =	vst v63  }
0x22: {  	s18 =	simm.s32 $0x0;
	s1 =	simm.s32 $0x0;
	_ =	swait.ge [sflag:s16], $0x2000  }
0x23: {  	s0 =	sand.u32 $0x60, s18;
	s1 =	sand.u32 $0x3FFFFF00, s1;
	[sflag:s16] =	ssyncset.done $0x0  }
0x24: {  	s17 =	sor.u32 $0x10, s0;
	s28 =	sor.u32 s0, s1;
	[sflag:s16] =	ssyncadd.s32 $0xFFFFE000  }
0x25: {  	s1 =	sor.u32 s17, s1;
	v1 =	vld [tilespmem:s28+$0x0]  }
0x26: {  	v2 =	vld [tilespmem:s1+$0x0];
	_ =	sdelay $0x3  }
0x27: {  	s20 =	simm.s32 $0x0;
	vm0 =	veq.s32 v1, $0x4;
	vm1 =	veq.s32 v1, $0x0  }
0x28: {  	s29 =	simm.s32 $0x20;
	s1 =	sand.u32 $0x3FFFFE00, s20;
	s28 =	simm.s32 $0x40;
	vm2 =	veq.s32 v1, $0x2;
	vm11 =	veq.s32 v2, $0x4;
	vm3 =	veq.s32 v1, $0x3  }
0x29: {  	s31 =	sand.u32 $0x60, s29;
	s1 =	sadd.s32 $0x4000, s1;
	s30 =	sand.u32 $0x3FFFFF00, s28;
	vm4 =	veq.s32 v1, $0x1;
	vm12 =	veq.s32 v2, $0x1;
	v5 =	vsel vm0, $0x3E800000, v0  }
0x2a: {  	s28 =	sor.u32 $0x10, s31;
	s0 =	sor.u32 s0, s1;
	s20 =	sor.u32 s31, s30;
	vm13 =	veq.s32 v2, $0x2;
	vm14 =	veq.s32 v2, $0x3;
	v1 =	vsel vm3, $0x3F800000, v5  }
0x2b: {  	s18 =	simm.s32 $0x80;
	s6 =	sor.u32 s28, s30;
	vm15 =	veq.s32 v2, $0x0;
	v6 =	vsel vm11, $0x3E800000, v0;
	v7 =	vsel vm1, $0x3F800000, v5;
	[tilespmem:s0+$0x180] =	vst v1;
	v1 =	vld [tilespmem:s20+$0x0]  }
0x2c: {  	s18 =	sand.u32 $0x3FFFFE00, s18;
	v2 =	vld [tilespmem:s6+$0x0];
	v4 =	vsel vm4, $0x3F800000, v5;
	v3 =	vsel vm12, $0x3F800000, v6;
	[tilespmem:s0+$0x0] =	vst v7;
	v7 =	vsel vm2, $0x3F800000, v5  }
0x2d: {  	s30 =	sadd.s32 $0x4000, s18;
	s1 =	sor.u32 s17, s1;
	v5 =	vsel vm13, $0x3F800000, v6;
	[tilespmem:s0+$0x100] =	vst v7;
	v7 =	vsel vm15, $0x3F800000, v6;
	v6 =	vsel vm14, $0x3F800000, v6  }
.LBB2_6:
0x2e: {  	s29 =	sadd.s32 $0x20, s29  }
0x2f: {  	[tilespmem:s1+$0x0] =	vst v7;
	s6 =	sand.u32 $0x60, s29  }
0x30: {  	s17 =	sshll.u32 s29, $0x1;
	s18 =	sshll.u32 s29, $0x2;
	vm1 =	veq.s32 v1, $0x4;
	vm2 =	veq.s32 v1, $0x0;
	vm0 =	veq.s32 v1, $0x2;
	[tilespmem:s1+$0x180] =	vst v6;
	p0 =	slt.u32 s29, $0xFE0  }
0x31: {  	s17 =	sand.u32 $0x3FFFFF00, s17;
	s18 =	sand.u32 $0x3FFFFE00, s18;
	s20 =	sor.u32 $0x10, s6;
	v6 =	vsel vm1, $0x3E800000, v0;
	vm1 =	veq.s32 v1, $0x3;
	vm3 =	veq.s32 v2, $0x4;
	[tilespmem:s0+$0x80] =	vst v4;
	v7 =	vmovc v2  }
.Ltmp2:
0x32: {  	vm4 =	veq.s32 v1, $0x1;
	s0 =	sor.u32 s6, s17;
	s17 =	sor.u32 s20, s17;
	v8 =	vsel vm3, $0x3E800000, v0;
	vm3 =	veq.s32 v7, $0x1;
	[tilespmem:s1+$0x80] =	vst v3;
	(pc) =	sbr.rel @p0 .LBB2_6-.Ltmp2, $4  }
0x33: {  	s18 =	sadd.s32 $0x4000, s18;
	v4 =	vsel vm4, $0x3F800000, v6;
	v9 =	vsel vm1, $0x3F800000, v6;
	v1 =	vld [tilespmem:s0+$0x0];
	s0 =	sor.u32 s31, s30;
	v3 =	vsel vm3, $0x3F800000, v8;
	[tilespmem:s1+$0x100] =	vst v5  }
0x34: {  	vm1 =	veq.s32 v7, $0x2;
	v5 =	vsel vm2, $0x3F800000, v6;
	vm2 =	veq.s32 v7, $0x3;
	s31 =	smov.u32 s6;
	v2 =	vld [tilespmem:s17+$0x0];
	[tilespmem:s0+$0x180] =	vst v9  }
0x35: {  	v6 =	vsel vm0, $0x3F800000, v6;
	vm0 =	veq.s32 v7, $0x0;
	[tilespmem:s0+$0x0] =	vst v5;
	v5 =	vsel vm1, $0x3F800000, v8  }
0x36: {  	s1 =	sor.u32 s28, s30;
	s28 =	smov.u32 s20;
	s30 =	smov.u32 s18;
	v7 =	vsel vm0, $0x3F800000, v8;
	[tilespmem:s0+$0x100] =	vst v6;
	v6 =	vsel vm2, $0x3F800000, v8  }
0x37: {  	[tilespmem:s1+$0x0] =	vst v7  }
0x38: {  	[tilespmem:s1+$0x180] =	vst v6  }
0x39: {  	[tilespmem:s0+$0x80] =	vst v4;
	vm0 =	veq.s32 v1, $0x4  }
0x3a: {  	[tilespmem:s1+$0x80] =	vst v3;
	vm13 =	veq.s32 v1, $0x3;
	v4 =	vsel vm0, $0x3E800000, v0  }
0x3b: {  	s18 =	sor.u32 s31, s30;
	[tilespmem:s1+$0x100] =	vst v5;
	vm1 =	veq.s32 v1, $0x0;
	v3 =	vsel vm13, $0x3F800000, v4  }
0x3c: {  	vm14 =	veq.s32 v1, $0x2;
	v5 =	vsel vm1, $0x3F800000, v4;
	[tilespmem:s18+$0x180] =	vst v3  }
0x3d: {  	vm5 =	veq.s32 v1, $0x1;
	vm2 =	veq.s32 v2, $0x4;
	[tilespmem:s18+$0x0] =	vst v5;
	v5 =	vsel vm14, $0x3F800000, v4  }
0x3e: {  	vm15 =	veq.s32 v2, $0x0;
	v3 =	vsel vm2, $0x3E800000, v0;
	v4 =	vsel vm5, $0x3F800000, v4;
	[tilespmem:s18+$0x100] =	vst v5  }
0x3f: {  	s20 =	sor.u32 s28, s30;
	vm4 =	veq.s32 v2, $0x3;
	v5 =	vsel vm15, $0x3F800000, v3;
	[tilespmem:s18+$0x80] =	vst v4  }
0x40: {  	vm7 =	veq.s32 v2, $0x2;
	v1 =	vsel vm4, $0x3F800000, v3;
	[tilespmem:s20+$0x0] =	vst v5  }
0x41: {  	vm6 =	veq.s32 v2, $0x1;
	v2 =	vsel vm7, $0x3F800000, v3;
	[tilespmem:s20+$0x180] =	vst v1  }
0x42: {  	v1 =	vsel vm6, $0x3F800000, v3;
	[tilespmem:s20+$0x100] =	vst v2  }
0x43: {  	s1 =	simm.s32 $0x4000;
	s6 =	simm.s32 $0x1000;
	s17 =	simm.s32 $0x2000;
	[tilespmem:s20+$0x80] =	vst v1  }
0x44: {  	[hbm4b:s5+s2] =	stream.linear.scatter [tilespmem:s1], [sflag:$0x3], $0x4000, $0x38;
	[tilespmem:$0x14000] =	vst v63  }
0x45: {  	s0 =	sand.u32 $0x60, s6;
	s1 =	sand.u32 $0x3FFFFF00, s17  }
0x46: {  	s6 =	sor.u32 $0x10, s0;
	s17 =	sor.u32 s0, s1  }
0x47: {  	s1 =	sor.u32 s6, s1;
	v1 =	vld [tilespmem:s17+$0x0]  }
0x48: {  	v2 =	vld [tilespmem:s1+$0x0];
	_ =	sdelay $0x3  }
0x49: {  	s18 =	simm.s32 $0x4000;
	vm8 =	veq.s32 v1, $0x4;
	vm9 =	veq.s32 v1, $0x0  }
0x4a: {  	s29 =	simm.s32 $0x1020;
	s20 =	simm.s32 $0x2040;
	s1 =	sand.u32 $0x3FFFFE00, s18;
	vm10 =	veq.s32 v1, $0x2;
	vm11 =	veq.s32 v2, $0x4;
	vm3 =	veq.s32 v1, $0x3  }
0x4b: {  	s31 =	sand.u32 $0x60, s29;
	s17 =	sand.u32 $0x3FFFFF00, s20;
	s1 =	sadd.s32 $0x4000, s1;
	vm4 =	veq.s32 v1, $0x1;
	vm12 =	veq.s32 v2, $0x1;
	v5 =	vsel vm8, $0x3E800000, v0  }
0x4c: {  	s28 =	sor.u32 $0x10, s31;
	s20 =	sor.u32 s31, s17;
	s0 =	sor.u32 s0, s1;
	vm13 =	veq.s32 v2, $0x2;
	vm14 =	veq.s32 v2, $0x3;
	v1 =	vsel vm3, $0x3F800000, v5  }
0x4d: {  	s18 =	simm.s32 $0x4080;
	s17 =	sor.u32 s28, s17;
	vm15 =	veq.s32 v2, $0x0;
	v6 =	vsel vm11, $0x3E800000, v0;
	v7 =	vsel vm9, $0x3F800000, v5;
	[tilespmem:s0+$0x180] =	vst v1;
	v1 =	vld [tilespmem:s20+$0x0]  }
0x4e: {  	s18 =	sand.u32 $0x3FFFFE00, s18;
	v2 =	vld [tilespmem:s17+$0x0];
	v4 =	vsel vm4, $0x3F800000, v5;
	v3 =	vsel vm12, $0x3F800000, v6;
	[tilespmem:s0+$0x0] =	vst v7;
	v7 =	vsel vm10, $0x3F800000, v5  }
0x4f: {  	s30 =	sadd.s32 $0x4000, s18;
	s1 =	sor.u32 s6, s1;
	v5 =	vsel vm13, $0x3F800000, v6;
	[tilespmem:s0+$0x100] =	vst v7;
	v7 =	vsel vm15, $0x3F800000, v6;
	v6 =	vsel vm14, $0x3F800000, v6  }
.LBB2_8:
0x50: {  	s29 =	sadd.s32 $0x20, s29  }
0x51: {  	[tilespmem:s1+$0x0] =	vst v7;
	s6 =	sand.u32 $0x60, s29  }
0x52: {  	s17 =	sshll.u32 s29, $0x1;
	s18 =	sshll.u32 s29, $0x2;
	vm1 =	veq.s32 v1, $0x4;
	vm2 =	veq.s32 v1, $0x0;
	vm0 =	veq.s32 v1, $0x2;
	[tilespmem:s1+$0x180] =	vst v6;
	p0 =	slt.u32 s29, $0x1FE0  }
0x53: {  	s17 =	sand.u32 $0x3FFFFF00, s17;
	s18 =	sand.u32 $0x3FFFFE00, s18;
	s20 =	sor.u32 $0x10, s6;
	v6 =	vsel vm1, $0x3E800000, v0;
	vm1 =	veq.s32 v1, $0x3;
	vm3 =	veq.s32 v2, $0x4;
	[tilespmem:s0+$0x80] =	vst v4;
	v7 =	vmovc v2  }
.Ltmp3:
0x54: {  	vm4 =	veq.s32 v1, $0x1;
	s0 =	sor.u32 s6, s17;
	s17 =	sor.u32 s20, s17;
	v8 =	vsel vm3, $0x3E800000, v0;
	vm3 =	veq.s32 v7, $0x1;
	[tilespmem:s1+$0x80] =	vst v3;
	(pc) =	sbr.rel @p0 .LBB2_8-.Ltmp3, $4  }
0x55: {  	s18 =	sadd.s32 $0x4000, s18;
	v4 =	vsel vm4, $0x3F800000, v6;
	v9 =	vsel vm1, $0x3F800000, v6;
	v1 =	vld [tilespmem:s0+$0x0];
	s0 =	sor.u32 s31, s30;
	v3 =	vsel vm3, $0x3F800000, v8;
	[tilespmem:s1+$0x100] =	vst v5  }
0x56: {  	vm1 =	veq.s32 v7, $0x2;
	v5 =	vsel vm2, $0x3F800000, v6;
	vm2 =	veq.s32 v7, $0x3;
	s31 =	smov.u32 s6;
	v2 =	vld [tilespmem:s17+$0x0];
	[tilespmem:s0+$0x180] =	vst v9  }
0x57: {  	v6 =	vsel vm0, $0x3F800000, v6;
	vm0 =	veq.s32 v7, $0x0;
	[tilespmem:s0+$0x0] =	vst v5;
	v5 =	vsel vm1, $0x3F800000, v8  }
0x58: {  	s1 =	sor.u32 s28, s30;
	s28 =	smov.u32 s20;
	s30 =	smov.u32 s18;
	v7 =	vsel vm0, $0x3F800000, v8;
	[tilespmem:s0+$0x100] =	vst v6;
	v6 =	vsel vm2, $0x3F800000, v8  }
0x59: {  	[tilespmem:s1+$0x0] =	vst v7  }
0x5a: {  	[tilespmem:s1+$0x180] =	vst v6  }
0x5b: {  	[tilespmem:s0+$0x80] =	vst v4;
	vm0 =	veq.s32 v1, $0x4  }
0x5c: {  	[tilespmem:s1+$0x80] =	vst v3;
	vm9 =	veq.s32 v1, $0x3;
	v60 =	vsel vm0, $0x3E800000, v0  }
0x5d: {  	s20 =	sor.u32 s31, s30;
	[tilespmem:s1+$0x100] =	vst v5;
	vm1 =	veq.s32 v1, $0x0;
	v3 =	vsel vm9, $0x3F800000, v60  }
0x5e: {  	vm10 =	veq.s32 v1, $0x2;
	v61 =	vsel vm1, $0x3F800000, v60;
	[tilespmem:s20+$0x180] =	vst v3  }
0x5f: {  	vm13 =	veq.s32 v1, $0x1;
	vm2 =	veq.s32 v2, $0x4;
	v62 =	vsel vm10, $0x3F800000, v60;
	[tilespmem:s20+$0x0] =	vst v61  }
0x60: {  	vm11 =	veq.s32 v2, $0x0;
	v4 =	vsel vm13, $0x3F800000, v60;
	v3 =	vsel vm2, $0x3E800000, v0;
	[tilespmem:s20+$0x100] =	vst v62  }
0x61: {  	s31 =	sor.u32 s28, s30;
	vm12 =	veq.s32 v2, $0x3;
	[tilespmem:s20+$0x80] =	vst v4;
	v63 =	vsel vm11, $0x3F800000, v3  }
0x62: {  	vm15 =	veq.s32 v2, $0x2;
	v1 =	vsel vm12, $0x3F800000, v3;
	[tilespmem:s31+$0x0] =	vst v63  }
0x63: {  	vm14 =	veq.s32 v2, $0x1;
	v2 =	vsel vm15, $0x3F800000, v3;
	[tilespmem:s31+$0x180] =	vst v1  }
0x64: {  	v1 =	vsel vm14, $0x3F800000, v3;
	[tilespmem:s31+$0x100] =	vst v2  }
0x65: {  	[tilespmem:s31+$0x80] =	vst v1  }
0x66: {  	s0 =	simm.s32 $0x0;
	s6 =	simm.s32 $0x8000;
	s1 =	rddreg [dreg:$0x3]  }
0x67: {  	[hbm4b:s1+s0] =	stream.linear.scatter [tilespmem:s6], [sflag:$0x4], $0x4000, $0x38;
	[tilespmem:$0x14000] =	vst v63  }
0x68: {  	s29 =	sadd.s32 $0x0, s7;
	s28 =	simm.s32 $0x100;
	s1 =	simm.s32 $0x10  }
.LBB2_10:
0x69: {  	[tilespmem:s0], [sflag:$0x1] =	stream.linear.gather [hbm4b:s29+s2], $0x80, $0x38;
	[tilespmem:$0x14000] =	vst v63  }
0x6a: {  	s6 =	smov.u32 s1;
	s0 =	smov.u32 s28;
	p0 =	sne.s32 s1, $0x3F0  }
.Ltmp4:
0x6b: {  	s1 =	sadd.s32 $0x10, s1;
	(pc) =	sbr.rel @p0 .LBB2_10-.Ltmp4, $2  }
0x6c: {  	_ =	sdelay $0x2  }
0x6d: {  	s28 =	sadd.s32 $0x100, s28;
	s29 =	sadd.s32 s6, s7  }
0x6e: {  	[tilespmem:s0], [sflag:$0x1] =	stream.linear.gather [hbm4b:s29+s2], $0x80, $0x38;
	[tilespmem:$0x14000] =	vst v63  }
0x6f: {  	s17 =	simm.s32 $0x0;
	s1 =	simm.s32 $0x0  }
0x70: {  	_ =	swait.ge [sflag:s19], $0x2000;
	s0 =	sand.u32 $0x60, s17;
	s1 =	sand.u32 $0x3FFFFF00, s1  }
0x71: {  	[sflag:s19] =	ssyncset.done $0x0;
	s1 =	sor.u32 $0x80, s1;
	s6 =	sor.u32 $0x10, s0  }
0x72: {  	[sflag:s19] =	ssyncadd.s32 $0xFFFFE000;
	s17 =	sor.u32 s6, s1  }
0x73: {  	s1 =	sor.u32 s0, s1;
	v2 =	vld [tilespmem:s17+$0x0]  }
0x74: {  	v1 =	vld [tilespmem:s1+$0x0];
	_ =	sdelay $0x2  }
0x75: {  	s30 =	simm.s32 $0x20;
	s18 =	simm.s32 $0x40  }
0x76: {  	s20 =	simm.s32 $0x0;
	s28 =	sand.u32 $0x60, s30;
	s1 =	sand.u32 $0x3FFFFF00, s18;
	vm1 =	veq.s32 v2, $0x4;
	vm3 =	veq.s32 v2, $0x0;
	vm0 =	veq.s32 v2, $0x1  }
0x77: {  	s31 =	sor.u32 $0x10, s28;
	s17 =	sand.u32 $0x3FFFFE00, s20;
	s1 =	sor.u32 $0x80, s1;
	vm2 =	veq.s32 v1, $0x4;
	vm4 =	veq.s32 v1, $0x2;
	vm5 =	veq.s32 v1, $0x3  }
0x78: {  	s17 =	sadd.s32 $0xC000, s17;
	s18 =	sor.u32 s31, s1;
	v3 =	vsel vm1, $0x3E800000, v0;
	vm1 =	veq.s32 v2, $0x3;
	v4 =	vsel vm2, $0x3E800000, v0  }
0x79: {  	s29 =	sor.u32 s6, s17;
	s1 =	sor.u32 s28, s1;
	vm2 =	veq.s32 v1, $0x0;
	v5 =	vsel vm1, $0x3F800000, v3;
	vm1 =	veq.s32 v1, $0x1;
	v1 =	vld [tilespmem:s18+$0x0]  }
0x7a: {  	s0 =	sor.u32 s0, s17;
	v7 =	vsel vm4, $0x3F800000, v4;
	[tilespmem:s29+$0x180] =	vst v5;
	v5 =	vsel vm2, $0x3F800000, v4;
	vm2 =	veq.s32 v2, $0x2;
	v2 =	vld [tilespmem:s1+$0x0]  }
0x7b: {  	v6 =	vsel vm1, $0x3F800000, v4;
	s1 =	simm.s32 $0x20;
	[tilespmem:s0+$0x0] =	vst v5;
	v5 =	vsel vm5, $0x3F800000, v4;
	v4 =	vsel vm3, $0x3F800000, v3  }
.LBB2_12:
0x7c: {  	s30 =	sadd.s32 $0x20, s30;
	[tilespmem:s0+$0x80] =	vst v6;
	v6 =	vsel vm0, $0x3F800000, v3;
	v8 =	vsel vm2, $0x3F800000, v3;
	s1 =	sshll.u32 s1, $0x2  }
0x7d: {  	s6 =	sshll.u32 s30, $0x1;
	p0 =	slt.u32 s30, $0xFE0;
	[tilespmem:s0+$0x100] =	vst v7;
	s1 =	sand.u32 $0x3FFFFE00, s1  }
0x7e: {  	s17 =	sand.u32 $0x60, s30;
	s6 =	sand.u32 $0x3FFFFF00, s6;
	vm2 =	veq.s32 v1, $0x4;
	vm1 =	veq.s32 v1, $0x0;
	vm0 =	veq.s32 v1, $0x1;
	[tilespmem:s0+$0x180] =	vst v5;
	v5 =	vmovc v1;
	s1 =	sadd.s32 $0xC000, s1  }
.Ltmp5:
0x7f: {  	s0 =	sor.u32 $0x80, s6;
	s6 =	sor.u32 $0x10, s17;
	vm3 =	veq.s32 v2, $0x4;
	v3 =	vsel vm2, $0x3E800000, v0;
	vm2 =	veq.s32 v5, $0x3;
	[tilespmem:s29+$0x0] =	vst v4;
	(pc) =	sbr.rel @p0 .LBB2_12-.Ltmp5, $4  }
0x80: {  	s20 =	sor.u32 s31, s1;
	s18 =	sor.u32 s17, s0;
	s0 =	sor.u32 s6, s0;
	v4 =	vsel vm3, $0x3E800000, v0;
	vm3 =	veq.s32 v2, $0x0;
	v7 =	vsel vm2, $0x3F800000, v3;
	[tilespmem:s29+$0x80] =	vst v6  }
0x81: {  	vm4 =	veq.s32 v2, $0x2;
	vm5 =	veq.s32 v2, $0x3;
	vm2 =	veq.s32 v2, $0x1;
	v1 =	vld [tilespmem:s0+$0x0];
	s0 =	sor.u32 s28, s1;
	[tilespmem:s20+$0x180] =	vst v7;
	s1 =	smov.u32 s30;
	s28 =	smov.u32 s17  }
0x82: {  	s31 =	smov.u32 s6;
	v7 =	vsel vm3, $0x3F800000, v4;
	v6 =	vsel vm2, $0x3F800000, v4;
	vm2 =	veq.s32 v5, $0x2;
	v2 =	vld [tilespmem:s18+$0x0];
	[tilespmem:s29+$0x100] =	vst v8;
	s29 =	smov.u32 s20  }
0x83: {  	v5 =	vsel vm5, $0x3F800000, v4;
	[tilespmem:s0+$0x0] =	vst v7;
	v7 =	vsel vm4, $0x3F800000, v4;
	v4 =	vsel vm1, $0x3F800000, v3  }
0x84: {  	[tilespmem:s0+$0x80] =	vst v6  }
0x85: {  	[tilespmem:s0+$0x100] =	vst v7  }
0x86: {  	s1 =	sshll.u32 s1, $0x2;
	[tilespmem:s0+$0x180] =	vst v5  }
0x87: {  	v5 =	vsel vm0, $0x3F800000, v3;
	[tilespmem:s29+$0x0] =	vst v4;
	v3 =	vsel vm2, $0x3F800000, v3;
	s1 =	sand.u32 $0x3FFFFE00, s1;
	vm1 =	veq.s32 v1, $0x4  }
0x88: {  	[tilespmem:s29+$0x80] =	vst v5;
	s20 =	sadd.s32 $0xC000, s1;
	vm0 =	veq.s32 v1, $0x3;
	v6 =	vsel vm1, $0x3E800000, v0;
	vm1 =	veq.s32 v2, $0x4  }
0x89: {  	[tilespmem:s29+$0x100] =	vst v3;
	s1 =	sor.u32 s31, s20;
	v4 =	vsel vm0, $0x3F800000, v6;
	v5 =	vsel vm1, $0x3E800000, v0;
	vm0 =	veq.s32 v2, $0x0  }
0x8a: {  	s0 =	sor.u32 s28, s20;
	vm1 =	veq.s32 v2, $0x1;
	[tilespmem:s1+$0x180] =	vst v4;
	v4 =	vsel vm0, $0x3F800000, v5  }
0x8b: {  	vm0 =	veq.s32 v2, $0x2;
	v3 =	vsel vm1, $0x3F800000, v5;
	[tilespmem:s0+$0x0] =	vst v4  }
0x8c: {  	vm1 =	veq.s32 v2, $0x3;
	v2 =	vsel vm0, $0x3F800000, v5;
	[tilespmem:s0+$0x80] =	vst v3  }
0x8d: {  	vm0 =	veq.s32 v1, $0x0;
	v3 =	vsel vm1, $0x3F800000, v5;
	[tilespmem:s0+$0x100] =	vst v2  }
0x8e: {  	vm1 =	veq.s32 v1, $0x1;
	v2 =	vsel vm0, $0x3F800000, v6;
	[tilespmem:s0+$0x180] =	vst v3  }
0x8f: {  	vm0 =	veq.s32 v1, $0x2;
	v1 =	vsel vm1, $0x3F800000, v6;
	[tilespmem:s1+$0x0] =	vst v2  }
0x90: {  	v2 =	vsel vm0, $0x3F800000, v6;
	[tilespmem:s1+$0x80] =	vst v1  }
0x91: {  	s6 =	simm.s32 $0x1000;
	s17 =	simm.s32 $0x2000;
	[tilespmem:s1+$0x100] =	vst v2;
	s1 =	simm.s32 $0xC000  }
0x92: {  	[hbm4b:s8+s2] =	stream.linear.scatter [tilespmem:s1], [sflag:$0x5], $0x4000, $0x38;
	[tilespmem:$0x14000] =	vst v63  }
0x93: {  	s0 =	sand.u32 $0x60, s6;
	s1 =	sand.u32 $0x3FFFFF00, s17  }
0x94: {  	s6 =	sor.u32 $0x10, s0;
	s1 =	sor.u32 $0x80, s1  }
0x95: {  	s17 =	sor.u32 s6, s1  }
0x96: {  	s1 =	sor.u32 s0, s1;
	v2 =	vld [tilespmem:s17+$0x0]  }
0x97: {  	v1 =	vld [tilespmem:s1+$0x0];
	_ =	sdelay $0x2  }
0x98: {  	s30 =	simm.s32 $0x1020;
	s18 =	simm.s32 $0x2040  }
0x99: {  	s20 =	simm.s32 $0x4000;
	s28 =	sand.u32 $0x60, s30;
	s1 =	sand.u32 $0x3FFFFF00, s18;
	vm1 =	veq.s32 v2, $0x4;
	vm3 =	veq.s32 v2, $0x0;
	vm0 =	veq.s32 v2, $0x1  }
0x9a: {  	s31 =	sor.u32 $0x10, s28;
	s17 =	sand.u32 $0x3FFFFE00, s20;
	s1 =	sor.u32 $0x80, s1;
	vm2 =	veq.s32 v1, $0x4;
	vm4 =	veq.s32 v1, $0x2;
	vm5 =	veq.s32 v1, $0x3  }
0x9b: {  	s17 =	sadd.s32 $0xC000, s17;
	s18 =	sor.u32 s31, s1;
	v3 =	vsel vm1, $0x3E800000, v0;
	vm1 =	veq.s32 v2, $0x3;
	v4 =	vsel vm2, $0x3E800000, v0  }
0x9c: {  	s29 =	sor.u32 s6, s17;
	s1 =	sor.u32 s28, s1;
	vm2 =	veq.s32 v1, $0x0;
	v5 =	vsel vm1, $0x3F800000, v3;
	vm1 =	veq.s32 v1, $0x1;
	v1 =	vld [tilespmem:s18+$0x0]  }
0x9d: {  	s0 =	sor.u32 s0, s17;
	v7 =	vsel vm4, $0x3F800000, v4;
	[tilespmem:s29+$0x180] =	vst v5;
	v5 =	vsel vm2, $0x3F800000, v4;
	vm2 =	veq.s32 v2, $0x2;
	v2 =	vld [tilespmem:s1+$0x0]  }
0x9e: {  	v6 =	vsel vm1, $0x3F800000, v4;
	s1 =	simm.s32 $0x1020;
	[tilespmem:s0+$0x0] =	vst v5;
	v5 =	vsel vm5, $0x3F800000, v4;
	v4 =	vsel vm3, $0x3F800000, v3  }
.LBB2_14:
0x9f: {  	s30 =	sadd.s32 $0x20, s30;
	[tilespmem:s0+$0x80] =	vst v6;
	v6 =	vsel vm0, $0x3F800000, v3;
	v8 =	vsel vm2, $0x3F800000, v3;
	s1 =	sshll.u32 s1, $0x2  }
0xa0: {  	s6 =	sshll.u32 s30, $0x1;
	p0 =	slt.u32 s30, $0x1FE0;
	[tilespmem:s0+$0x100] =	vst v7;
	s1 =	sand.u32 $0x3FFFFE00, s1  }
0xa1: {  	s17 =	sand.u32 $0x60, s30;
	s6 =	sand.u32 $0x3FFFFF00, s6;
	vm2 =	veq.s32 v1, $0x4;
	vm1 =	veq.s32 v1, $0x0;
	vm0 =	veq.s32 v1, $0x1;
	[tilespmem:s0+$0x180] =	vst v5;
	v5 =	vmovc v1;
	s1 =	sadd.s32 $0xC000, s1  }
.Ltmp6:
0xa2: {  	s0 =	sor.u32 $0x80, s6;
	s6 =	sor.u32 $0x10, s17;
	vm3 =	veq.s32 v2, $0x4;
	v3 =	vsel vm2, $0x3E800000, v0;
	vm2 =	veq.s32 v5, $0x3;
	[tilespmem:s29+$0x0] =	vst v4;
	(pc) =	sbr.rel @p0 .LBB2_14-.Ltmp6, $4  }
0xa3: {  	s20 =	sor.u32 s31, s1;
	s18 =	sor.u32 s17, s0;
	s0 =	sor.u32 s6, s0;
	v4 =	vsel vm3, $0x3E800000, v0;
	vm3 =	veq.s32 v2, $0x0;
	v7 =	vsel vm2, $0x3F800000, v3;
	[tilespmem:s29+$0x80] =	vst v6  }
0xa4: {  	vm4 =	veq.s32 v2, $0x2;
	vm5 =	veq.s32 v2, $0x3;
	vm2 =	veq.s32 v2, $0x1;
	v1 =	vld [tilespmem:s0+$0x0];
	s0 =	sor.u32 s28, s1;
	[tilespmem:s20+$0x180] =	vst v7;
	s1 =	smov.u32 s30;
	s28 =	smov.u32 s17  }
0xa5: {  	s31 =	smov.u32 s6;
	v7 =	vsel vm3, $0x3F800000, v4;
	v6 =	vsel vm2, $0x3F800000, v4;
	vm2 =	veq.s32 v5, $0x2;
	v2 =	vld [tilespmem:s18+$0x0];
	[tilespmem:s29+$0x100] =	vst v8;
	s29 =	smov.u32 s20  }
0xa6: {  	v5 =	vsel vm5, $0x3F800000, v4;
	[tilespmem:s0+$0x0] =	vst v7;
	v7 =	vsel vm4, $0x3F800000, v4;
	v4 =	vsel vm1, $0x3F800000, v3  }
0xa7: {  	[tilespmem:s0+$0x80] =	vst v6  }
0xa8: {  	[tilespmem:s0+$0x100] =	vst v7  }
0xa9: {  	s1 =	sshll.u32 s1, $0x2;
	[tilespmem:s0+$0x180] =	vst v5;
	v59 =	vsel vm0, $0x3F800000, v3  }
0xaa: {  	[tilespmem:s29+$0x0] =	vst v4;
	v3 =	vsel vm2, $0x3F800000, v3;
	s1 =	sand.u32 $0x3FFFFE00, s1;
	vm1 =	veq.s32 v1, $0x4;
	vm7 =	veq.s32 v1, $0x3  }
0xab: {  	[tilespmem:s29+$0x80] =	vst v59;
	s30 =	sadd.s32 $0xC000, s1;
	vm13 =	veq.s32 v1, $0x0;
	vm14 =	veq.s32 v1, $0x1;
	v60 =	vsel vm1, $0x3E800000, v0  }
0xac: {  	[tilespmem:s29+$0x100] =	vst v3;
	vm15 =	veq.s32 v1, $0x2;
	vm8 =	veq.s32 v2, $0x4;
	s1 =	sor.u32 s31, s30;
	v61 =	vsel vm7, $0x3F800000, v60  }
0xad: {  	vm9 =	veq.s32 v2, $0x0;
	v62 =	vsel vm8, $0x3E800000, v0;
	v1 =	vsel vm14, $0x3F800000, v60;
	[tilespmem:s1+$0x180] =	vst v61  }
0xae: {  	s0 =	sor.u32 s28, s30;
	vm10 =	veq.s32 v2, $0x1;
	v63 =	vsel vm9, $0x3F800000, v62;
	[tilespmem:s1+$0x80] =	vst v1  }
0xaf: {  	vm11 =	veq.s32 v2, $0x2;
	v3 =	vsel vm10, $0x3F800000, v62;
	[tilespmem:s0+$0x0] =	vst v63  }
0xb0: {  	vm12 =	veq.s32 v2, $0x3;
	v2 =	vsel vm11, $0x3F800000, v62;
	[tilespmem:s0+$0x80] =	vst v3  }
0xb1: {  	v3 =	vsel vm12, $0x3F800000, v62;
	[tilespmem:s0+$0x100] =	vst v2  }
0xb2: {  	v2 =	vsel vm13, $0x3F800000, v60;
	[tilespmem:s0+$0x180] =	vst v3  }
0xb3: {  	s29 =	sadd.s32 $0x0, s10;
	s31 =	simm.s32 $0x0;
	[tilespmem:s1+$0x0] =	vst v2;
	v2 =	vsel vm15, $0x3F800000, v60  }
0xb4: {  	s28 =	simm.s32 $0x180;
	s0 =	simm.s32 $0x80;
	[tilespmem:s1+$0x100] =	vst v2;
	s1 =	simm.s32 $0x10  }
0xb5: {  	[hbm4b:s9+s31] =	stream.linear.scatter [tilespmem:s21], [sflag:$0x6], $0x4000, $0x38;
	[tilespmem:$0x14000] =	vst v63  }
.LBB2_16:
0xb6: {  	[tilespmem:s0], [sflag:$0x2] =	stream.linear.gather [hbm4b:s29+s2], $0x80, $0x38;
	[tilespmem:$0x14000] =	vst v63  }
0xb7: {  	s6 =	smov.u32 s1;
	s0 =	smov.u32 s28;
	p0 =	sne.s32 s1, $0x3F0  }
.Ltmp7:
0xb8: {  	s1 =	sadd.s32 $0x10, s1;
	(pc) =	sbr.rel @p0 .LBB2_16-.Ltmp7, $2  }
0xb9: {  	_ =	sdelay $0x2  }
0xba: {  	s28 =	sadd.s32 $0x100, s28;
	s29 =	sadd.s32 s6, s10  }
0xbb: {  	[tilespmem:s0], [sflag:$0x2] =	stream.linear.gather [hbm4b:s29+s2], $0x80, $0x38;
	[tilespmem:$0x14000] =	vst v63  }
0xbc: {  	_ =	swait.ge [sflag:s16], $0x2000  }
0xbd: {  	[sflag:s16] =	ssyncset.done $0x0  }
0xbe: {  	[sflag:s16] =	ssyncadd.s32 $0xFFFFE000  }
0xbf: {  	s17 =	simm.s32 $0x0;
	s1 =	simm.s32 $0x0;
	_ =	swait.ge [sflag:s22], $0x4000  }
0xc0: {  	s0 =	sand.u32 $0x60, s17;
	s1 =	sand.u32 $0x3FFFFF00, s1;
	[sflag:s22] =	ssyncset.done $0x0  }
0xc1: {  	s6 =	sor.u32 $0x10, s0;
	s17 =	sor.u32 s0, s1;
	[sflag:s22] =	ssyncadd.s32 $0xFFFFC000  }
0xc2: {  	s1 =	sor.u32 s6, s1;
	v1 =	vld [tilespmem:s17+$0x0]  }
0xc3: {  	v2 =	vld [tilespmem:s1+$0x0];
	_ =	sdelay $0x3  }
0xc4: {  	s18 =	simm.s32 $0x0;
	vm0 =	veq.s32 v1, $0x4;
	vm1 =	veq.s32 v1, $0x0  }
0xc5: {  	s29 =	simm.s32 $0x20;
	s20 =	simm.s32 $0x40;
	s1 =	sand.u32 $0x3FFFFE00, s18;
	vm2 =	veq.s32 v1, $0x2;
	vm11 =	veq.s32 v2, $0x4;
	vm3 =	veq.s32 v1, $0x3  }
0xc6: {  	s31 =	sand.u32 $0x60, s29;
	s17 =	sand.u32 $0x3FFFFF00, s20;
	s1 =	sadd.s32 $0x4000, s1;
	vm4 =	veq.s32 v1, $0x1;
	vm12 =	veq.s32 v2, $0x1;
	v5 =	vsel vm0, $0x3E800000, v0  }
0xc7: {  	s28 =	sor.u32 $0x10, s31;
	s20 =	sor.u32 s31, s17;
	s0 =	sor.u32 s0, s1;
	vm13 =	veq.s32 v2, $0x2;
	vm14 =	veq.s32 v2, $0x3;
	v1 =	vsel vm3, $0x3F800000, v5  }
0xc8: {  	s18 =	simm.s32 $0x80;
	s17 =	sor.u32 s28, s17;
	vm15 =	veq.s32 v2, $0x0;
	v6 =	vsel vm11, $0x3E800000, v0;
	v7 =	vsel vm1, $0x3F800000, v5;
	[tilespmem:s0+$0x180] =	vst v1;
	v1 =	vld [tilespmem:s20+$0x0]  }
0xc9: {  	s18 =	sand.u32 $0x3FFFFE00, s18;
	v2 =	vld [tilespmem:s17+$0x0];
	v4 =	vsel vm4, $0x3F800000, v5;
	v3 =	vsel vm12, $0x3F800000, v6;
	[tilespmem:s0+$0x0] =	vst v7;
	v7 =	vsel vm2, $0x3F800000, v5  }
0xca: {  	s30 =	sadd.s32 $0x4000, s18;
	s1 =	sor.u32 s6, s1;
	v5 =	vsel vm13, $0x3F800000, v6;
	[tilespmem:s0+$0x100] =	vst v7;
	v7 =	vsel vm15, $0x3F800000, v6;
	v6 =	vsel vm14, $0x3F800000, v6  }
.LBB2_18:
0xcb: {  	s29 =	sadd.s32 $0x20, s29  }
0xcc: {  	[tilespmem:s1+$0x0] =	vst v7;
	s6 =	sand.u32 $0x60, s29  }
0xcd: {  	s17 =	sshll.u32 s29, $0x1;
	s18 =	sshll.u32 s29, $0x2;
	vm1 =	veq.s32 v1, $0x4;
	vm2 =	veq.s32 v1, $0x0;
	vm0 =	veq.s32 v1, $0x2;
	[tilespmem:s1+$0x180] =	vst v6;
	p0 =	slt.u32 s29, $0xFE0  }
0xce: {  	s17 =	sand.u32 $0x3FFFFF00, s17;
	s18 =	sand.u32 $0x3FFFFE00, s18;
	s20 =	sor.u32 $0x10, s6;
	v6 =	vsel vm1, $0x3E800000, v0;
	vm1 =	veq.s32 v1, $0x3;
	vm3 =	veq.s32 v2, $0x4;
	[tilespmem:s0+$0x80] =	vst v4;
	v7 =	vmovc v2  }
.Ltmp8:
0xcf: {  	vm4 =	veq.s32 v1, $0x1;
	s0 =	sor.u32 s6, s17;
	s17 =	sor.u32 s20, s17;
	v8 =	vsel vm3, $0x3E800000, v0;
	vm3 =	veq.s32 v7, $0x1;
	[tilespmem:s1+$0x80] =	vst v3;
	(pc) =	sbr.rel @p0 .LBB2_18-.Ltmp8, $4  }
0xd0: {  	s18 =	sadd.s32 $0x4000, s18;
	v4 =	vsel vm4, $0x3F800000, v6;
	v9 =	vsel vm1, $0x3F800000, v6;
	v1 =	vld [tilespmem:s0+$0x0];
	s0 =	sor.u32 s31, s30;
	v3 =	vsel vm3, $0x3F800000, v8;
	[tilespmem:s1+$0x100] =	vst v5  }
0xd1: {  	vm1 =	veq.s32 v7, $0x2;
	v5 =	vsel vm2, $0x3F800000, v6;
	vm2 =	veq.s32 v7, $0x3;
	s31 =	smov.u32 s6;
	v2 =	vld [tilespmem:s17+$0x0];
	[tilespmem:s0+$0x180] =	vst v9  }
0xd2: {  	v6 =	vsel vm0, $0x3F800000, v6;
	vm0 =	veq.s32 v7, $0x0;
	[tilespmem:s0+$0x0] =	vst v5;
	v5 =	vsel vm1, $0x3F800000, v8  }
0xd3: {  	s1 =	sor.u32 s28, s30;
	s28 =	smov.u32 s20;
	s30 =	smov.u32 s18;
	v7 =	vsel vm0, $0x3F800000, v8;
	[tilespmem:s0+$0x100] =	vst v6;
	v6 =	vsel vm2, $0x3F800000, v8  }
0xd4: {  	[tilespmem:s1+$0x0] =	vst v7  }
0xd5: {  	[tilespmem:s1+$0x180] =	vst v6  }
0xd6: {  	[tilespmem:s0+$0x80] =	vst v4;
	vm0 =	veq.s32 v1, $0x4  }
0xd7: {  	[tilespmem:s1+$0x80] =	vst v3;
	vm13 =	veq.s32 v1, $0x3;
	v4 =	vsel vm0, $0x3E800000, v0  }
0xd8: {  	s18 =	sor.u32 s31, s30;
	[tilespmem:s1+$0x100] =	vst v5;
	vm1 =	veq.s32 v1, $0x0;
	v3 =	vsel vm13, $0x3F800000, v4  }
0xd9: {  	vm14 =	veq.s32 v1, $0x2;
	v5 =	vsel vm1, $0x3F800000, v4;
	[tilespmem:s18+$0x180] =	vst v3  }
0xda: {  	vm5 =	veq.s32 v1, $0x1;
	vm2 =	veq.s32 v2, $0x4;
	[tilespmem:s18+$0x0] =	vst v5;
	v5 =	vsel vm14, $0x3F800000, v4  }
0xdb: {  	vm15 =	veq.s32 v2, $0x0;
	v3 =	vsel vm2, $0x3E800000, v0;
	v4 =	vsel vm5, $0x3F800000, v4;
	[tilespmem:s18+$0x100] =	vst v5  }
0xdc: {  	s20 =	sor.u32 s28, s30;
	vm4 =	veq.s32 v2, $0x3;
	v5 =	vsel vm15, $0x3F800000, v3;
	[tilespmem:s18+$0x80] =	vst v4  }
0xdd: {  	vm7 =	veq.s32 v2, $0x2;
	v1 =	vsel vm4, $0x3F800000, v3;
	[tilespmem:s20+$0x0] =	vst v5  }
0xde: {  	vm6 =	veq.s32 v2, $0x1;
	v2 =	vsel vm7, $0x3F800000, v3;
	[tilespmem:s20+$0x180] =	vst v1  }
0xdf: {  	v1 =	vsel vm6, $0x3F800000, v3;
	[tilespmem:s20+$0x100] =	vst v2  }
0xe0: {  	s1 =	simm.s32 $0x4000;
	[tilespmem:s20+$0x80] =	vst v1  }
0xe1: {  	[hbm4b:s11+s2] =	stream.linear.scatter [tilespmem:s1], [sflag:$0x3], $0x4000, $0x38;
	[tilespmem:$0x14000] =	vst v63  }
0xe2: {  	s6 =	simm.s32 $0x1000;
	s17 =	simm.s32 $0x2000;
	_ =	swait.ge [sflag:s23], $0x4000  }
0xe3: {  	s0 =	sand.u32 $0x60, s6;
	s1 =	sand.u32 $0x3FFFFF00, s17;
	[sflag:s23] =	ssyncset.done $0x0  }
0xe4: {  	s6 =	sor.u32 $0x10, s0;
	s17 =	sor.u32 s0, s1;
	[sflag:s23] =	ssyncadd.s32 $0xFFFFC000  }
0xe5: {  	s1 =	sor.u32 s6, s1;
	v1 =	vld [tilespmem:s17+$0x0]  }
0xe6: {  	v2 =	vld [tilespmem:s1+$0x0];
	_ =	sdelay $0x3  }
0xe7: {  	s18 =	simm.s32 $0x4000;
	vm8 =	veq.s32 v1, $0x4;
	vm9 =	veq.s32 v1, $0x0  }
0xe8: {  	s29 =	simm.s32 $0x1020;
	s20 =	simm.s32 $0x2040;
	s1 =	sand.u32 $0x3FFFFE00, s18;
	vm10 =	veq.s32 v1, $0x2;
	vm11 =	veq.s32 v2, $0x4;
	vm3 =	veq.s32 v1, $0x3  }
0xe9: {  	s31 =	sand.u32 $0x60, s29;
	s17 =	sand.u32 $0x3FFFFF00, s20;
	s1 =	sadd.s32 $0x4000, s1;
	vm4 =	veq.s32 v1, $0x1;
	vm12 =	veq.s32 v2, $0x1;
	v5 =	vsel vm8, $0x3E800000, v0  }
0xea: {  	s28 =	sor.u32 $0x10, s31;
	s20 =	sor.u32 s31, s17;
	s0 =	sor.u32 s0, s1;
	vm13 =	veq.s32 v2, $0x2;
	vm14 =	veq.s32 v2, $0x3;
	v1 =	vsel vm3, $0x3F800000, v5  }
0xeb: {  	s18 =	simm.s32 $0x4080;
	s17 =	sor.u32 s28, s17;
	vm15 =	veq.s32 v2, $0x0;
	v6 =	vsel vm11, $0x3E800000, v0;
	v7 =	vsel vm9, $0x3F800000, v5;
	[tilespmem:s0+$0x180] =	vst v1;
	v1 =	vld [tilespmem:s20+$0x0]  }
0xec: {  	s18 =	sand.u32 $0x3FFFFE00, s18;
	v2 =	vld [tilespmem:s17+$0x0];
	v4 =	vsel vm4, $0x3F800000, v5;
	v3 =	vsel vm12, $0x3F800000, v6;
	[tilespmem:s0+$0x0] =	vst v7;
	v7 =	vsel vm10, $0x3F800000, v5  }
0xed: {  	s30 =	sadd.s32 $0x4000, s18;
	s1 =	sor.u32 s6, s1;
	v5 =	vsel vm13, $0x3F800000, v6;
	[tilespmem:s0+$0x100] =	vst v7;
	v7 =	vsel vm15, $0x3F800000, v6;
	v6 =	vsel vm14, $0x3F800000, v6  }
.LBB2_20:
0xee: {  	s29 =	sadd.s32 $0x20, s29  }
0xef: {  	[tilespmem:s1+$0x0] =	vst v7;
	s6 =	sand.u32 $0x60, s29  }
0xf0: {  	s17 =	sshll.u32 s29, $0x1;
	s18 =	sshll.u32 s29, $0x2;
	vm1 =	veq.s32 v1, $0x4;
	vm2 =	veq.s32 v1, $0x0;
	vm0 =	veq.s32 v1, $0x2;
	[tilespmem:s1+$0x180] =	vst v6;
	p0 =	slt.u32 s29, $0x1FE0  }
0xf1: {  	s17 =	sand.u32 $0x3FFFFF00, s17;
	s18 =	sand.u32 $0x3FFFFE00, s18;
	s20 =	sor.u32 $0x10, s6;
	v6 =	vsel vm1, $0x3E800000, v0;
	vm1 =	veq.s32 v1, $0x3;
	vm3 =	veq.s32 v2, $0x4;
	[tilespmem:s0+$0x80] =	vst v4;
	v7 =	vmovc v2  }
.Ltmp9:
0xf2: {  	vm4 =	veq.s32 v1, $0x1;
	s0 =	sor.u32 s6, s17;
	s17 =	sor.u32 s20, s17;
	v8 =	vsel vm3, $0x3E800000, v0;
	vm3 =	veq.s32 v7, $0x1;
	[tilespmem:s1+$0x80] =	vst v3;
	(pc) =	sbr.rel @p0 .LBB2_20-.Ltmp9, $4  }
0xf3: {  	s18 =	sadd.s32 $0x4000, s18;
	v4 =	vsel vm4, $0x3F800000, v6;
	v9 =	vsel vm1, $0x3F800000, v6;
	v1 =	vld [tilespmem:s0+$0x0];
	s0 =	sor.u32 s31, s30;
	v3 =	vsel vm3, $0x3F800000, v8;
	[tilespmem:s1+$0x100] =	vst v5  }
0xf4: {  	vm1 =	veq.s32 v7, $0x2;
	v5 =	vsel vm2, $0x3F800000, v6;
	vm2 =	veq.s32 v7, $0x3;
	s31 =	smov.u32 s6;
	v2 =	vld [tilespmem:s17+$0x0];
	[tilespmem:s0+$0x180] =	vst v9  }
0xf5: {  	v6 =	vsel vm0, $0x3F800000, v6;
	vm0 =	veq.s32 v7, $0x0;
	[tilespmem:s0+$0x0] =	vst v5;
	v5 =	vsel vm1, $0x3F800000, v8  }
0xf6: {  	s1 =	sor.u32 s28, s30;
	s28 =	smov.u32 s20;
	s30 =	smov.u32 s18;
	v7 =	vsel vm0, $0x3F800000, v8;
	[tilespmem:s0+$0x100] =	vst v6;
	v6 =	vsel vm2, $0x3F800000, v8  }
0xf7: {  	[tilespmem:s1+$0x0] =	vst v7  }
0xf8: {  	[tilespmem:s1+$0x180] =	vst v6  }
0xf9: {  	[tilespmem:s0+$0x80] =	vst v4;
	vm0 =	veq.s32 v1, $0x4  }
0xfa: {  	[tilespmem:s1+$0x80] =	vst v3;
	v4 =	vsel vm0, $0x3E800000, v0;
	vm0 =	veq.s32 v1, $0x3  }
0xfb: {  	s18 =	sor.u32 s31, s30;
	[tilespmem:s1+$0x100] =	vst v5;
	vm1 =	veq.s32 v1, $0x0;
	v3 =	vsel vm0, $0x3F800000, v4  }
0xfc: {  	vm2 =	veq.s32 v2, $0x4;
	vm0 =	veq.s32 v1, $0x2;
	v5 =	vsel vm1, $0x3F800000, v4;
	[tilespmem:s18+$0x180] =	vst v3  }
0xfd: {  	v3 =	vsel vm2, $0x3E800000, v0;
	[tilespmem:s18+$0x0] =	vst v5;
	v5 =	vsel vm0, $0x3F800000, v4;
	vm0 =	veq.s32 v2, $0x0  }
0xfe: {  	s20 =	sor.u32 s28, s30;
	vm1 =	veq.s32 v2, $0x3;
	[tilespmem:s18+$0x100] =	vst v5;
	v5 =	vsel vm0, $0x3F800000, v3  }
0xff: {  	vm0 =	veq.s32 v1, $0x1;
	v1 =	vsel vm1, $0x3F800000, v3;
	[tilespmem:s20+$0x0] =	vst v5  }
0x100: {  	vm1 =	veq.s32 v2, $0x1;
	v4 =	vsel vm0, $0x3F800000, v4;
	[tilespmem:s20+$0x180] =	vst v1  }
0x101: {  	v1 =	vsel vm1, $0x3F800000, v3;
	vm0 =	veq.s32 v2, $0x2;
	[tilespmem:s18+$0x80] =	vst v4  }
0x102: {  	v2 =	vsel vm0, $0x3F800000, v3;
	[tilespmem:s20+$0x80] =	vst v1  }
0x103: {  	s1 =	simm.s32 $0x8000;
	[tilespmem:s20+$0x100] =	vst v2  }
0x104: {  	[hbm4b:s12+s2] =	stream.linear.scatter [tilespmem:s1], [sflag:$0x4], $0x4000, $0x38;
	[tilespmem:$0x14000] =	vst v63  }
0x105: {  	_ =	swait.ge [sflag:s19], $0x2000  }
0x106: {  	[sflag:s19] =	ssyncset.done $0x0  }
0x107: {  	s6 =	simm.s32 $0x0;
	s17 =	simm.s32 $0x0;
	[sflag:s19] =	ssyncadd.s32 $0xFFFFE000  }
0x108: {  	s0 =	sand.u32 $0x60, s6;
	s1 =	sand.u32 $0x3FFFFF00, s17;
	_ =	swait.ge [sflag:s24], $0x4000  }
0x109: {  	s6 =	sor.u32 $0x10, s0;
	s1 =	sor.u32 $0x80, s1;
	[sflag:s24] =	ssyncset.done $0x0  }
0x10a: {  	s17 =	sor.u32 s6, s1;
	[sflag:s24] =	ssyncadd.s32 $0xFFFFC000  }
0x10b: {  	s1 =	sor.u32 s0, s1;
	v2 =	vld [tilespmem:s17+$0x0]  }
0x10c: {  	v1 =	vld [tilespmem:s1+$0x0];
	_ =	sdelay $0x2  }
0x10d: {  	s30 =	simm.s32 $0x20;
	s18 =	simm.s32 $0x40  }
0x10e: {  	s28 =	sand.u32 $0x60, s30;
	s20 =	simm.s32 $0x0;
	s1 =	sand.u32 $0x3FFFFF00, s18;
	vm1 =	veq.s32 v2, $0x4;
	vm3 =	veq.s32 v2, $0x0;
	vm0 =	veq.s32 v2, $0x1  }
0x10f: {  	s31 =	sor.u32 $0x10, s28;
	s17 =	sand.u32 $0x3FFFFE00, s20;
	s1 =	sor.u32 $0x80, s1;
	vm2 =	veq.s32 v1, $0x4;
	vm4 =	veq.s32 v1, $0x2;
	vm5 =	veq.s32 v1, $0x3  }
0x110: {  	s17 =	sadd.s32 $0xC000, s17;
	s18 =	sor.u32 s31, s1;
	v3 =	vsel vm1, $0x3E800000, v0;
	vm1 =	veq.s32 v2, $0x3;
	v4 =	vsel vm2, $0x3E800000, v0  }
0x111: {  	s29 =	sor.u32 s6, s17;
	s1 =	sor.u32 s28, s1;
	vm2 =	veq.s32 v1, $0x0;
	v5 =	vsel vm1, $0x3F800000, v3;
	vm1 =	veq.s32 v1, $0x1;
	v1 =	vld [tilespmem:s18+$0x0]  }
0x112: {  	s0 =	sor.u32 s0, s17;
	v7 =	vsel vm4, $0x3F800000, v4;
	[tilespmem:s29+$0x180] =	vst v5;
	v5 =	vsel vm2, $0x3F800000, v4;
	vm2 =	veq.s32 v2, $0x2;
	v2 =	vld [tilespmem:s1+$0x0]  }
0x113: {  	v6 =	vsel vm1, $0x3F800000, v4;
	s1 =	simm.s32 $0x20;
	[tilespmem:s0+$0x0] =	vst v5;
	v5 =	vsel vm5, $0x3F800000, v4;
	v4 =	vsel vm3, $0x3F800000, v3  }
.LBB2_22:
0x114: {  	s30 =	sadd.s32 $0x20, s30;
	[tilespmem:s0+$0x80] =	vst v6;
	v6 =	vsel vm0, $0x3F800000, v3;
	v8 =	vsel vm2, $0x3F800000, v3;
	s1 =	sshll.u32 s1, $0x2  }
0x115: {  	s6 =	sshll.u32 s30, $0x1;
	p0 =	slt.u32 s30, $0xFE0;
	[tilespmem:s0+$0x100] =	vst v7;
	s1 =	sand.u32 $0x3FFFFE00, s1  }
0x116: {  	s17 =	sand.u32 $0x60, s30;
	s6 =	sand.u32 $0x3FFFFF00, s6;
	vm2 =	veq.s32 v1, $0x4;
	vm1 =	veq.s32 v1, $0x0;
	vm0 =	veq.s32 v1, $0x1;
	[tilespmem:s0+$0x180] =	vst v5;
	v5 =	vmovc v1;
	s1 =	sadd.s32 $0xC000, s1  }
.Ltmp10:
0x117: {  	s0 =	sor.u32 $0x80, s6;
	s6 =	sor.u32 $0x10, s17;
	vm3 =	veq.s32 v2, $0x4;
	v3 =	vsel vm2, $0x3E800000, v0;
	vm2 =	veq.s32 v5, $0x3;
	[tilespmem:s29+$0x0] =	vst v4;
	(pc) =	sbr.rel @p0 .LBB2_22-.Ltmp10, $4  }
0x118: {  	s20 =	sor.u32 s31, s1;
	s18 =	sor.u32 s17, s0;
	s0 =	sor.u32 s6, s0;
	v4 =	vsel vm3, $0x3E800000, v0;
	vm3 =	veq.s32 v2, $0x0;
	v7 =	vsel vm2, $0x3F800000, v3;
	[tilespmem:s29+$0x80] =	vst v6  }
0x119: {  	vm4 =	veq.s32 v2, $0x2;
	vm5 =	veq.s32 v2, $0x3;
	vm2 =	veq.s32 v2, $0x1;
	v1 =	vld [tilespmem:s0+$0x0];
	s0 =	sor.u32 s28, s1;
	[tilespmem:s20+$0x180] =	vst v7;
	s1 =	smov.u32 s30;
	s28 =	smov.u32 s17  }
0x11a: {  	s31 =	smov.u32 s6;
	v7 =	vsel vm3, $0x3F800000, v4;
	v6 =	vsel vm2, $0x3F800000, v4;
	vm2 =	veq.s32 v5, $0x2;
	v2 =	vld [tilespmem:s18+$0x0];
	[tilespmem:s29+$0x100] =	vst v8;
	s29 =	smov.u32 s20  }
0x11b: {  	v5 =	vsel vm5, $0x3F800000, v4;
	[tilespmem:s0+$0x0] =	vst v7;
	v7 =	vsel vm4, $0x3F800000, v4;
	v4 =	vsel vm1, $0x3F800000, v3  }
0x11c: {  	[tilespmem:s0+$0x80] =	vst v6  }
0x11d: {  	[tilespmem:s0+$0x100] =	vst v7  }
0x11e: {  	s1 =	sshll.u32 s1, $0x2;
	[tilespmem:s0+$0x180] =	vst v5  }
0x11f: {  	v5 =	vsel vm0, $0x3F800000, v3;
	[tilespmem:s29+$0x0] =	vst v4;
	v3 =	vsel vm2, $0x3F800000, v3;
	s1 =	sand.u32 $0x3FFFFE00, s1;
	vm1 =	veq.s32 v1, $0x4  }
0x120: {  	[tilespmem:s29+$0x80] =	vst v5;
	s20 =	sadd.s32 $0xC000, s1;
	vm0 =	veq.s32 v1, $0x3;
	v6 =	vsel vm1, $0x3E800000, v0;
	vm1 =	veq.s32 v2, $0x4  }
0x121: {  	[tilespmem:s29+$0x100] =	vst v3;
	s1 =	sor.u32 s31, s20;
	v4 =	vsel vm0, $0x3F800000, v6;
	v5 =	vsel vm1, $0x3E800000, v0;
	vm0 =	veq.s32 v2, $0x0  }
0x122: {  	s0 =	sor.u32 s28, s20;
	vm1 =	veq.s32 v2, $0x1;
	[tilespmem:s1+$0x180] =	vst v4;
	v4 =	vsel vm0, $0x3F800000, v5  }
0x123: {  	vm0 =	veq.s32 v2, $0x2;
	v3 =	vsel vm1, $0x3F800000, v5;
	[tilespmem:s0+$0x0] =	vst v4  }
0x124: {  	vm1 =	veq.s32 v2, $0x3;
	v2 =	vsel vm0, $0x3F800000, v5;
	[tilespmem:s0+$0x80] =	vst v3  }
0x125: {  	vm0 =	veq.s32 v1, $0x0;
	v3 =	vsel vm1, $0x3F800000, v5;
	[tilespmem:s0+$0x100] =	vst v2  }
0x126: {  	vm1 =	veq.s32 v1, $0x1;
	v2 =	vsel vm0, $0x3F800000, v6;
	[tilespmem:s0+$0x180] =	vst v3  }
0x127: {  	vm0 =	veq.s32 v1, $0x2;
	v1 =	vsel vm1, $0x3F800000, v6;
	[tilespmem:s1+$0x0] =	vst v2  }
0x128: {  	v2 =	vsel vm0, $0x3F800000, v6;
	[tilespmem:s1+$0x80] =	vst v1  }
0x129: {  	s6 =	simm.s32 $0x1000;
	s17 =	simm.s32 $0x2000;
	[tilespmem:s1+$0x100] =	vst v2;
	s1 =	simm.s32 $0xC000  }
0x12a: {  	[hbm4b:s13+s2] =	stream.linear.scatter [tilespmem:s1], [sflag:$0x5], $0x4000, $0x38;
	[tilespmem:$0x14000] =	vst v63  }
0x12b: {  	s0 =	sand.u32 $0x60, s6;
	s1 =	sand.u32 $0x3FFFFF00, s17;
	_ =	swait.ge [sflag:s25], $0x4000  }
0x12c: {  	s6 =	sor.u32 $0x10, s0;
	s1 =	sor.u32 $0x80, s1;
	[sflag:s25] =	ssyncset.done $0x0  }
0x12d: {  	s17 =	sor.u32 s6, s1;
	[sflag:s25] =	ssyncadd.s32 $0xFFFFC000  }
0x12e: {  	s1 =	sor.u32 s0, s1;
	v2 =	vld [tilespmem:s17+$0x0]  }
0x12f: {  	v1 =	vld [tilespmem:s1+$0x0];
	_ =	sdelay $0x2  }
0x130: {  	s30 =	simm.s32 $0x1020;
	s18 =	simm.s32 $0x2040  }
0x131: {  	s20 =	simm.s32 $0x4000;
	s28 =	sand.u32 $0x60, s30;
	s1 =	sand.u32 $0x3FFFFF00, s18;
	vm1 =	veq.s32 v2, $0x4;
	vm3 =	veq.s32 v2, $0x0;
	vm0 =	veq.s32 v2, $0x1  }
0x132: {  	s31 =	sor.u32 $0x10, s28;
	s17 =	sand.u32 $0x3FFFFE00, s20;
	s1 =	sor.u32 $0x80, s1;
	vm2 =	veq.s32 v1, $0x4;
	vm4 =	veq.s32 v1, $0x2;
	vm5 =	veq.s32 v1, $0x3  }
0x133: {  	s17 =	sadd.s32 $0xC000, s17;
	s18 =	sor.u32 s31, s1;
	v3 =	vsel vm1, $0x3E800000, v0;
	vm1 =	veq.s32 v2, $0x3;
	v4 =	vsel vm2, $0x3E800000, v0  }
0x134: {  	s29 =	sor.u32 s6, s17;
	s1 =	sor.u32 s28, s1;
	vm2 =	veq.s32 v1, $0x0;
	v5 =	vsel vm1, $0x3F800000, v3;
	vm1 =	veq.s32 v1, $0x1;
	v1 =	vld [tilespmem:s18+$0x0]  }
0x135: {  	s0 =	sor.u32 s0, s17;
	v7 =	vsel vm4, $0x3F800000, v4;
	[tilespmem:s29+$0x180] =	vst v5;
	v5 =	vsel vm2, $0x3F800000, v4;
	vm2 =	veq.s32 v2, $0x2;
	v2 =	vld [tilespmem:s1+$0x0]  }
0x136: {  	v6 =	vsel vm1, $0x3F800000, v4;
	s1 =	simm.s32 $0x1020;
	[tilespmem:s0+$0x0] =	vst v5;
	v5 =	vsel vm5, $0x3F800000, v4;
	v4 =	vsel vm3, $0x3F800000, v3  }
.LBB2_24:
0x137: {  	s30 =	sadd.s32 $0x20, s30;
	[tilespmem:s0+$0x80] =	vst v6;
	v6 =	vsel vm0, $0x3F800000, v3;
	v8 =	vsel vm2, $0x3F800000, v3;
	s1 =	sshll.u32 s1, $0x2  }
0x138: {  	s6 =	sshll.u32 s30, $0x1;
	p0 =	slt.u32 s30, $0x1FE0;
	[tilespmem:s0+$0x100] =	vst v7;
	s1 =	sand.u32 $0x3FFFFE00, s1  }
0x139: {  	s17 =	sand.u32 $0x60, s30;
	s6 =	sand.u32 $0x3FFFFF00, s6;
	vm2 =	veq.s32 v1, $0x4;
	vm1 =	veq.s32 v1, $0x0;
	vm0 =	veq.s32 v1, $0x1;
	[tilespmem:s0+$0x180] =	vst v5;
	v5 =	vmovc v1;
	s1 =	sadd.s32 $0xC000, s1  }
.Ltmp11:
0x13a: {  	s0 =	sor.u32 $0x80, s6;
	s6 =	sor.u32 $0x10, s17;
	vm3 =	veq.s32 v2, $0x4;
	v3 =	vsel vm2, $0x3E800000, v0;
	vm2 =	veq.s32 v5, $0x3;
	[tilespmem:s29+$0x0] =	vst v4;
	(pc) =	sbr.rel @p0 .LBB2_24-.Ltmp11, $4  }
0x13b: {  	s20 =	sor.u32 s31, s1;
	s18 =	sor.u32 s17, s0;
	s0 =	sor.u32 s6, s0;
	v4 =	vsel vm3, $0x3E800000, v0;
	vm3 =	veq.s32 v2, $0x0;
	v7 =	vsel vm2, $0x3F800000, v3;
	[tilespmem:s29+$0x80] =	vst v6  }
0x13c: {  	vm4 =	veq.s32 v2, $0x2;
	vm5 =	veq.s32 v2, $0x3;
	vm2 =	veq.s32 v2, $0x1;
	v1 =	vld [tilespmem:s0+$0x0];
	s0 =	sor.u32 s28, s1;
	[tilespmem:s20+$0x180] =	vst v7;
	s1 =	smov.u32 s30;
	s28 =	smov.u32 s17  }
0x13d: {  	s31 =	smov.u32 s6;
	v7 =	vsel vm3, $0x3F800000, v4;
	v6 =	vsel vm2, $0x3F800000, v4;
	vm2 =	veq.s32 v5, $0x2;
	v2 =	vld [tilespmem:s18+$0x0];
	[tilespmem:s29+$0x100] =	vst v8;
	s29 =	smov.u32 s20  }
0x13e: {  	v5 =	vsel vm5, $0x3F800000, v4;
	[tilespmem:s0+$0x0] =	vst v7;
	v7 =	vsel vm4, $0x3F800000, v4;
	v4 =	vsel vm1, $0x3F800000, v3  }
0x13f: {  	[tilespmem:s0+$0x80] =	vst v6  }
0x140: {  	[tilespmem:s0+$0x100] =	vst v7  }
0x141: {  	s1 =	sshll.u32 s1, $0x2;
	[tilespmem:s0+$0x180] =	vst v5;
	v59 =	vsel vm0, $0x3F800000, v3  }
0x142: {  	[tilespmem:s29+$0x0] =	vst v4;
	v3 =	vsel vm2, $0x3F800000, v3;
	s1 =	sand.u32 $0x3FFFFE00, s1;
	vm1 =	veq.s32 v1, $0x4;
	vm7 =	veq.s32 v1, $0x3  }
0x143: {  	[tilespmem:s29+$0x80] =	vst v59;
	s30 =	sadd.s32 $0xC000, s1;
	vm13 =	veq.s32 v1, $0x0;
	vm14 =	veq.s32 v1, $0x1;
	v60 =	vsel vm1, $0x3E800000, v0  }
0x144: {  	[tilespmem:s29+$0x100] =	vst v3;
	vm15 =	veq.s32 v1, $0x2;
	vm8 =	veq.s32 v2, $0x4;
	s1 =	sor.u32 s31, s30;
	v61 =	vsel vm7, $0x3F800000, v60  }
0x145: {  	vm9 =	veq.s32 v2, $0x0;
	v62 =	vsel vm8, $0x3E800000, v0;
	v1 =	vsel vm14, $0x3F800000, v60;
	[tilespmem:s1+$0x180] =	vst v61  }
0x146: {  	s0 =	sor.u32 s28, s30;
	vm10 =	veq.s32 v2, $0x1;
	v63 =	vsel vm9, $0x3F800000, v62;
	[tilespmem:s1+$0x80] =	vst v1  }
0x147: {  	vm11 =	veq.s32 v2, $0x2;
	v3 =	vsel vm10, $0x3F800000, v62;
	[tilespmem:s0+$0x0] =	vst v63  }
0x148: {  	vm12 =	veq.s32 v2, $0x3;
	v2 =	vsel vm11, $0x3F800000, v62;
	[tilespmem:s0+$0x80] =	vst v3  }
0x149: {  	v3 =	vsel vm12, $0x3F800000, v62;
	[tilespmem:s0+$0x100] =	vst v2  }
0x14a: {  	v2 =	vsel vm13, $0x3F800000, v60;
	[tilespmem:s0+$0x180] =	vst v3  }
0x14b: {  	[tilespmem:s1+$0x0] =	vst v2;
	v2 =	vsel vm15, $0x3F800000, v60  }
0x14c: {  	[tilespmem:s1+$0x100] =	vst v2  }
0x14d: {  	[hbm4b:s14+s2] =	stream.linear.scatter [tilespmem:s21], [sflag:$0x6], $0x4000, $0x38;
	[tilespmem:$0x14000] =	vst v63  }
0x14e: {  	_ =	swait.ge [sflag:s22], $0x4000  }
0x14f: {  	[sflag:s22] =	ssyncset.done $0x0  }
0x150: {  	[sflag:s22] =	ssyncadd.s32 $0xFFFFC000  }
0x151: {  	_ =	swait.ge [sflag:s23], $0x4000  }
0x152: {  	[sflag:s23] =	ssyncset.done $0x0  }
0x153: {  	s26 =	sadd.s32 $0x1, s26;
	[sflag:s23] =	ssyncadd.s32 $0xFFFFC000  }
0x154: {  	p0 =	sne.s32 s26, s15;
	_ =	swait.ge [sflag:s24], $0x4000  }
.Ltmp12:
0x155: {  	[sflag:s24] =	ssyncset.done $0x0;
	(pc) =	sbr.rel @p0 .LBB2_1-.Ltmp12, $4  }
0x156: {  	[sflag:s24] =	ssyncadd.s32 $0xFFFFC000  }
0x157: {  	_ =	swait.ge [sflag:s25], $0x4000  }
0x158: {  	[sflag:s25] =	ssyncset.done $0x0  }
0x159: {  	[sflag:s25] =	ssyncadd.s32 $0xFFFFC000  }
0x15a: {  	_ =	sfence.sel $0x180000  }
0x15b: {  	[bflag:$0x0] =	sbarrier.arrive $0xFFFF  }
0x15c: {  	_ =	strace $0x90000047  }
0x15d: {  	s0 =	stileid.u32;
	[bflag:$0x2] =	sbarrier.arrive $0xFFFF  }
0x15e: {  	p0 =	sne.s32 s0, $0x0;
	s0 =	rddreg [dreg:$0x2]  }
0x15f: {  	s0 =	sadd.s32 @!p0 $0x100000, s0  }
0x160: {  	[sflag:s0] =	ssyncadd.tile.s32 @!p0 $0x1;
	_ =	shalt  }
.Lfunc_end2:
_tile_overlayer_lowered:
.L_overlay_start_2:
0x161: {  	(tag) =	ssettag $0x2  }
0x162: {  	s0 =	rddreg [dreg:$0x0];
	s2 =	stileid.u32  }
0x163: {  	s1 =	rddreg [dreg:$0x1];
	p0 =	sne.s32 s2, $0x0  }
0x164: {  	s3 =	rddreg [dreg:$0x2];
	[bflag:$0x3] =	sbarrier.arrive $0xFFFF;
	s2 =	simm.s32 @!p0 $0x1C07  }
0x165: {  	[timem:s3], [sflag:s2] =	dma.local @!p0 [hbm:s0], s1  }
0x166: {  	s0 =	simm.s32 @!p0 $0x7  }
0x167: {  	_ =	swait.ge @!p0 [sflag:s0], s1  }
0x168: {  	s1 =	ssub.s32 @!p0 $0x0, s1;
	[sflag:s0] =	ssyncset.done @!p0 $0x0  }
0x169: {  	[sflag:s0] =	ssyncadd.s32 @!p0 s1  }
0x16a: {  	[bflag:$0x3] =	sbarrier.arrive $0xFFFF  }
0x16b: {  	_ =	shalt  }

</sc_bundles>
